<compile_context>
chip_gen: v7x
topology: tpu7x:2x2x1
jax: 0.10.2.dev20260603
libtpu: 0.0.44.dev20260713+nightly
codegen_flags: <defaults>
</compile_context>

<pallas_src>
import jax
import jax.numpy as jnp
from jax import lax
from jax.experimental import pallas as pl
from jax.experimental.pallas import tpu as pltpu
from jax.experimental.pallas import tpu_sc as plsc

_TM = 128
_SC_CHUNK = 128
_NW = 32


def _router_tc(flat, router_W, tm, nsteps_ffn):
  T, D = flat.shape
  E = router_W.shape[0]
  BT = 1024
  n = T // BT

  def body(x_ref, w_ref, slot_ref, estep_ref, acc_ref, eids_ref, ranks_ref):
    i = pl.program_id(0)

    @pl.when(i == 0)
    def _():
      acc_ref[...] = jnp.zeros_like(acc_ref)

    @pl.when(i < n)
    def _():
      logits = lax.dot_general(x_ref[...], w_ref[...],
                               (((1,), (1,)), ((), ())),
                               preferred_element_type=jnp.float32)
      mx = jnp.max(logits, axis=1, keepdims=True)
      pr = jnp.exp(logits - mx)
      mpr = jnp.max(pr, axis=1, keepdims=True)
      ii = lax.broadcasted_iota(jnp.int32, logits.shape, 1)
      eid = jnp.min(jnp.where(pr >= mpr, ii, jnp.int32(2**30)), axis=1,
                    keepdims=True)
      oh = (ii == eid).astype(jnp.float32)
      tri = (lax.broadcasted_iota(jnp.int32, (BT, BT), 0) >
             lax.broadcasted_iota(jnp.int32, (BT, BT), 1)).astype(jnp.float32)
      local_prefix = lax.dot_general(tri, oh, (((1,), (0,)), ((), ())),
                                     preferred_element_type=jnp.float32)
      rank = jnp.sum(oh * (acc_ref[...] + local_prefix), axis=1,
                     keepdims=True)
      base = i * BT
      eids_ref[pl.ds(base, BT), :] = eid
      ranks_ref[pl.ds(base, BT), :] = rank
      acc_ref[...] = acc_ref[...] + jnp.sum(oh, axis=0, keepdims=True)

    @pl.when(i == n)
    def _():
      counts = acc_ref[...]
      nblk = jnp.floor((counts + (tm - 1)) * (1.0 / tm))
      ee0 = lax.broadcasted_iota(jnp.int32, (E, E), 0)
      ee1 = lax.broadcasted_iota(jnp.int32, (E, E), 1)
      incl = (ee0 <= ee1).astype(jnp.float32)
      strict = (ee0 < ee1).astype(jnp.float32)
      cnb = lax.dot_general(nblk, incl, (((1,), (0,)), ((), ())),
                            preferred_element_type=jnp.float32)
      pbase = lax.dot_general(nblk, strict, (((1,), (0,)), ((), ())),
                              preferred_element_type=jnp.float32) * tm
      for k in range(n):
        eid_k = eids_ref[pl.ds(k * BT, BT), :]
        ii = lax.broadcasted_iota(jnp.int32, (BT, E), 1)
        oh = (ii == eid_k).astype(jnp.float32)
        slot_k = ranks_ref[pl.ds(k * BT, BT), :] + jnp.sum(
            oh * pbase, axis=1, keepdims=True)
        slot_ref[pl.ds(k * BT, BT), :] = slot_k.astype(jnp.int32)
      jj = lax.broadcasted_iota(jnp.int32, (nsteps_ffn, E), 0).astype(
          jnp.float32)
      cnb_b = jnp.broadcast_to(cnb, (nsteps_ffn, E))
      est = jnp.sum((cnb_b <= jj).astype(jnp.int32), axis=1, keepdims=True)
      ublk = jnp.max(cnb, axis=1, keepdims=True)
      ee = lax.broadcasted_iota(jnp.int32, (1, E), 1).astype(jnp.float32)
      le = jnp.max(jnp.where(counts > 0, ee, -1.0), axis=1, keepdims=True)
      jv = lax.broadcasted_iota(jnp.int32, (nsteps_ffn, 1), 0).astype(
          jnp.float32)
      live = (jv < jnp.broadcast_to(ublk, (nsteps_ffn, 1)))
      le_b = jnp.broadcast_to(le, (nsteps_ffn, 1)).astype(jnp.int32)
      estep_ref[:, 0:1] = jnp.where(live, jnp.minimum(est, E - 1), le_b)
      estep_ref[:, 1:2] = jnp.minimum(
          jv, jnp.broadcast_to(ublk - 1.0, (nsteps_ffn, 1))).astype(jnp.int32)
      estep_ref[:, 2:3] = live.astype(jnp.int32)

  slot, estep = pl.pallas_call(
      body,
      grid=(n + 1,),
      in_specs=[
          pl.BlockSpec((BT, D), lambda i: (jnp.minimum(i, n - 1), 0)),
          pl.BlockSpec((E, D), lambda i: (0, 0)),
      ],
      out_specs=[
          pl.BlockSpec((T, 1), lambda i: (0, 0)),
          pl.BlockSpec((nsteps_ffn, 3), lambda i: (0, 0)),
      ],
      out_shape=[
          jax.ShapeDtypeStruct((T, 1), jnp.int32),
          jax.ShapeDtypeStruct((nsteps_ffn, 3), jnp.int32),
      ],
      scratch_shapes=[
          pltpu.VMEM((1, E), jnp.float32),
          pltpu.VMEM((T, 1), jnp.int32),
          pltpu.VMEM((T, 1), jnp.float32),
      ],
      compiler_params=pltpu.CompilerParams(
          dimension_semantics=("arbitrary",)),
  )(flat, router_W)
  return slot.reshape(T), estep


def _sc_gather(table, idx):
  N = idx.shape[0]
  D = table.shape[1]
  rows_per_tile = N // _NW
  nchunks = rows_per_tile // _SC_CHUNK
  mesh = plsc.VectorSubcoreMesh(core_axis_name="c", subcore_axis_name="s",
                                num_cores=2, num_subcores=16)

  def body(table_hbm, idx_hbm, out_hbm, idx_v, rows_v, sem):
    wid = lax.axis_index("s") * 2 + lax.axis_index("c")
    for c in range(nchunks):
      base = wid * rows_per_tile + c * _SC_CHUNK
      pltpu.sync_copy(idx_hbm.at[pl.ds(base, _SC_CHUNK)], idx_v)
      pltpu.async_copy(table_hbm.at[idx_v], rows_v, sem).wait()
      pltpu.sync_copy(rows_v, out_hbm.at[pl.ds(base, _SC_CHUNK)])

  k = pl.kernel(
      body,
      out_type=jax.ShapeDtypeStruct((N, D), jnp.float32),
      mesh=mesh,
      scratch_types=[
          pltpu.VMEM((_SC_CHUNK,), jnp.int32),
          pltpu.VMEM((_SC_CHUNK, D), jnp.float32),
          pltpu.SemaphoreType.DMA,
      ],
  )
  return k(table, idx)


def _sc_scatter(rows, idx, n_out):
  N, D = rows.shape
  rows_per_tile = N // _NW
  nchunks = rows_per_tile // _SC_CHUNK
  mesh = plsc.VectorSubcoreMesh(core_axis_name="c", subcore_axis_name="s",
                                num_cores=2, num_subcores=16)

  def body(rows_hbm, idx_hbm, out_hbm, idx_v, rows_v, sem):
    wid = lax.axis_index("s") * 2 + lax.axis_index("c")
    for c in range(nchunks):
      base = wid * rows_per_tile + c * _SC_CHUNK
      pltpu.sync_copy(idx_hbm.at[pl.ds(base, _SC_CHUNK)], idx_v)
      pltpu.sync_copy(rows_hbm.at[pl.ds(base, _SC_CHUNK)], rows_v)
      pltpu.async_copy(rows_v, out_hbm.at[idx_v], sem).wait()

  k = pl.kernel(
      body,
      out_type=jax.ShapeDtypeStruct((n_out, D), jnp.float32),
      mesh=mesh,
      scratch_types=[
          pltpu.VMEM((_SC_CHUNK,), jnp.int32),
          pltpu.VMEM((_SC_CHUNK, D), jnp.float32),
          pltpu.SemaphoreType.DMA,
      ],
  )
  return k(rows, idx)


def _grouped_ffn_tc(x_pad, Wg, Wu, Wd, meta):
  LPAD, D = x_pad.shape
  H = Wg.shape[1]
  O = Wd.shape[1]
  nsteps = LPAD // _TM

  def body(m_ref, x_ref, wg_ref, wu_ref, wd_ref, o_ref):
    j = pl.program_id(0)

    @pl.when(m_ref[j, 2] == 1)
    def _():
      x = x_ref[...]
      g = lax.dot_general(x, wg_ref[0], (((1,), (1,)), ((), ())),
                          preferred_element_type=jnp.float32)
      u = lax.dot_general(x, wu_ref[0], (((1,), (1,)), ((), ())),
                          preferred_element_type=jnp.float32)
      h = g * jax.nn.sigmoid(g) * u
      o_ref[...] = lax.dot_general(h, wd_ref[0], (((1,), (1,)), ((), ())),
                                   preferred_element_type=jnp.float32)

  grid_spec = pltpu.PrefetchScalarGridSpec(
      num_scalar_prefetch=1,
      grid=(nsteps,),
      in_specs=[
          pl.BlockSpec((_TM, D), lambda j, m: (m[j, 1], 0)),
          pl.BlockSpec((1, H, D), lambda j, m: (m[j, 0], 0, 0)),
          pl.BlockSpec((1, H, D), lambda j, m: (m[j, 0], 0, 0)),
          pl.BlockSpec((1, O, H), lambda j, m: (m[j, 0], 0, 0)),
      ],
      out_specs=pl.BlockSpec((_TM, O), lambda j, m: (m[j, 1], 0)),
  )
  return pl.pallas_call(
      body,
      grid_spec=grid_spec,
      out_shape=jax.ShapeDtypeStruct((LPAD, O), jnp.float32),
      compiler_params=pltpu.CompilerParams(
          dimension_semantics=("arbitrary",)),
  )(meta, x_pad, Wg, Wu, Wd)


def _shared_combine_tc(flat, Wg, Wu, Wd, routed, scale_row):
  T, D = flat.shape
  H = Wg.shape[0]
  O = Wd.shape[0]
  BT = 1024

  def body(x_ref, wg_ref, wu_ref, wd_ref, r_ref, s_ref, o_ref):
    x = x_ref[...]
    g = lax.dot_general(x, wg_ref[...], (((1,), (1,)), ((), ())),
                        preferred_element_type=jnp.float32)
    u = lax.dot_general(x, wu_ref[...], (((1,), (1,)), ((), ())),
                        preferred_element_type=jnp.float32)
    h = g * jax.nn.sigmoid(g) * u
    sh = lax.dot_general(h, wd_ref[...], (((1,), (1,)), ((), ())),
                         preferred_element_type=jnp.float32)
    o_ref[...] = (sh + r_ref[...]) * s_ref[...]

  return pl.pallas_call(
      body,
      grid=(T // BT,),
      in_specs=[
          pl.BlockSpec((BT, D), lambda i: (i, 0)),
          pl.BlockSpec((H, D), lambda i: (0, 0)),
          pl.BlockSpec((H, D), lambda i: (0, 0)),
          pl.BlockSpec((O, H), lambda i: (0, 0)),
          pl.BlockSpec((BT, O), lambda i: (i, 0)),
          pl.BlockSpec((1, O), lambda i: (0, 0)),
      ],
      out_specs=pl.BlockSpec((BT, O), lambda i: (i, 0)),
      out_shape=jax.ShapeDtypeStruct((T, O), jnp.float32),
  )(flat, Wg, Wu, Wd, routed, scale_row)


def kernel(hidden_states, router_W, shared_Wg, shared_Wu, shared_Wd,
           expert_Wg, expert_Wu, expert_Wd, layer_scale):
  Bb, Ss, Dd = hidden_states.shape
  T = Bb * Ss
  E, H, D = expert_Wg.shape
  O = expert_Wd.shape[1]
  flat = hidden_states.reshape(T, D)

  LPAD = T + E * _TM
  nsteps = LPAD // _TM
  slot, meta = _router_tc(flat, router_W, _TM, nsteps)

  x_pad = _sc_scatter(flat, slot, LPAD)
  out_pad = _grouped_ffn_tc(x_pad, expert_Wg, expert_Wu, expert_Wd, meta)
  routed = _sc_gather(out_pad, slot)
  out = _shared_combine_tc(flat, shared_Wg, shared_Wu, shared_Wd, routed,
                           layer_scale.reshape(1, O))
  return out.reshape(Bb, Ss, O)

# --- scband reference (transcript-rebuilt; emitter-appended) ---
"""Pipeline reference for scband-shared-mo-eblock-18502719111702 (READ-ONLY COPY).

The authoritative reference and input builder live on the scoring server;
editing this copy changes nothing except your own understanding.
"""

import jax, jax.numpy as jnp
import numpy as np

B, S, D, H, O, E, K = 2, 2048, 768, 768, 768, 64, 1


def silu(x):
    return x * jax.nn.sigmoid(x)


def setup_inputs(seed: int = 0) -> dict:
    key = jax.random.key(seed)
    ks = jax.random.split(key, 9)
    hidden_states = jax.random.normal(ks[0], (B, S, D), dtype=jnp.float32)
    # NOTE: torch module zero-inits the router; we use random init so routing is
    # non-degenerate for benchmarking purposes.
    router_W = jax.random.normal(ks[1], (E, D), dtype=jnp.float32) * 0.02
    shared_Wg = jax.random.normal(ks[2], (H, D), dtype=jnp.float32) * 0.02
    shared_Wu = jax.random.normal(ks[3], (H, D), dtype=jnp.float32) * 0.02
    shared_Wd = jax.random.normal(ks[4], (O, H), dtype=jnp.float32) * 0.02
    expert_Wg = jax.random.normal(ks[5], (E, H, D), dtype=jnp.float32) * 0.02
    expert_Wu = jax.random.normal(ks[6], (E, H, D), dtype=jnp.float32) * 0.02
    expert_Wd = jax.random.normal(ks[7], (E, O, H), dtype=jnp.float32) * 0.02
    layer_scale = jnp.ones((O,), dtype=jnp.float32) * 1e-4
    return {
        "hidden_states": hidden_states,
        "router_W": router_W,
        "shared_Wg": shared_Wg,
        "shared_Wu": shared_Wu,
        "shared_Wd": shared_Wd,
        "expert_Wg": expert_Wg,
        "expert_Wu": expert_Wu,
        "expert_Wd": expert_Wd,
        "layer_scale": layer_scale,
    }


def reference(hidden_states, router_W, shared_Wg, shared_Wu, shared_Wd,
              expert_Wg, expert_Wu, expert_Wd, layer_scale):
    Bb, Ss, Dd = hidden_states.shape
    # Shared expert on all tokens
    shared_out = (silu(hidden_states @ shared_Wg.T) * (hidden_states @ shared_Wu.T)) @ shared_Wd.T
    # Router
    flat = hidden_states.reshape(-1, Dd)
    router_logits = flat @ router_W.T
    router_probs = jax.nn.softmax(router_logits.astype(jnp.float32), axis=-1)
    top_k_weights, top_k_indices = jax.lax.top_k(router_probs, K)
    top_k_weights = top_k_weights / jnp.sum(top_k_weights, axis=-1, keepdims=True)
    top_k_weights = top_k_weights.astype(hidden_states.dtype)
    num_tokens = flat.shape[0]
    output = jnp.zeros((num_tokens, O), dtype=flat.dtype)
    num_experts = expert_Wg.shape[0]
    for e in range(num_experts):
        gate = jnp.sum(top_k_weights * (top_k_indices == e).astype(top_k_weights.dtype), axis=-1)
        eo = (silu(flat @ expert_Wg[e].T) * (flat @ expert_Wu[e].T)) @ expert_Wd[e].T
        output = output + eo * gate[:, None]
    routed_out = output.reshape(Bb, Ss, O)
    return (shared_out + routed_out) * layer_scale

if __name__ == "__main__":
    import jax
    _d = setup_inputs()
    print(jax.jit(kernel)(*tuple(_d.values())))

</pallas_src>

<mosaic_0001>
#map = affine_map<(d0, d1) -> (0, 0)>
#map1 = affine_map<(d0, d1) -> (0)>
module attributes {stable_mosaic.version = 14 : i64} {
  func.func @body(%arg0: i32, %arg1: i32, %arg2: memref<12288x768xf32, #tpu.memory_space<hbm>>, %arg3: memref<4096xi32, #tpu.memory_space<hbm>>, %arg4: memref<4096x768xf32, #tpu.memory_space<hbm>>, %arg5: memref<128xi32, #tpu.memory_space<vmem>>, %arg6: memref<128x768xf32, #tpu.memory_space<vmem>>, %arg7: memref<!tpu.dma_semaphore, #tpu.memory_space<semaphore_mem>>) attributes {dimension_semantics = [#tpu.dimension_semantics<core_parallel>, #tpu.dimension_semantics<subcore_parallel>], iteration_bounds = array<i64: 2, 16>, scalar_prefetch = 0 : i64, scratch_operands = 3 : i64, tpu.core_type = #tpu.core_type<sc_vector_subcore>, window_params = [{transform_indices = #map}, {transform_indices = #map1}, {transform_indices = #map}]} {
    %mul3A = arith.constant 2 : i32
    %mul3A_0 = arith.muli %arg1, %mul3A : i32
    %add3A = arith.addi %mul3A_0, %arg0 : i32
    %mul3A_1 = arith.constant 128 : i32
    %mul3A_2 = arith.muli %add3A, %mul3A_1 : i32
    %add3A_3 = arith.constant 0 : i32
    %add3A_4 = arith.addi %mul3A_2, %add3A_3 : i32
    "tpu.region"() ({
      %run_scoped3A = tpu.sem_alloc : memref<!tpu.dma_semaphore, #tpu.memory_space<semaphore_mem>>
      %dma_start3A_9 = tpu.memref_slice %arg3[%add3A_4] : memref<4096xi32, #tpu.memory_space<hbm>> -> memref<128xi32, #tpu.memory_space<hbm>>
      %dma_start3A_10 = tpu.memref_slice %arg3[%add3A_4] : memref<4096xi32, #tpu.memory_space<hbm>> -> memref<128xi32, #tpu.memory_space<hbm>>
      tpu.enqueue_dma source(%dma_start3A_10 : memref<128xi32, #tpu.memory_space<hbm>>) target(%arg5 : memref<128xi32, #tpu.memory_space<vmem>>) target_semaphore(%run_scoped3A : memref<!tpu.dma_semaphore, #tpu.memory_space<semaphore_mem>>)
      %dma_wait3A_11 = tpu.memref_slice %arg3[%add3A_4] : memref<4096xi32, #tpu.memory_space<hbm>> -> memref<128xi32, #tpu.memory_space<hbm>>
      %dma_wait3A_12 = tpu.memref_slice %arg3[%add3A_4] : memref<4096xi32, #tpu.memory_space<hbm>> -> memref<128xi32, #tpu.memory_space<hbm>>
      tpu.wait_dma2 semaphore(%run_scoped3A : memref<!tpu.dma_semaphore, #tpu.memory_space<semaphore_mem>>) src(%dma_wait3A_12 : memref<128xi32, #tpu.memory_space<hbm>>) dst(%arg5 : memref<128xi32, #tpu.memory_space<vmem>>)
      tpu.yield
    }) : () -> ()
    %dma_start3A = arith.constant 0 : i32
    %dma_start3A_5 = arith.constant 0 : i32
    %dma_start3A_6 = tpu.memref_slice %arg2[%dma_start3A, %dma_start3A_5] : memref<12288x768xf32, #tpu.memory_space<hbm>> -> memref<12288x768xf32, #tpu.memory_space<hbm>>
    tpu.enqueue_indirect_dma source(%dma_start3A_6 : memref<12288x768xf32, #tpu.memory_space<hbm>>) target(%arg6 : memref<128x768xf32, #tpu.memory_space<vmem>>) offsets(%arg5 : memref<128xi32, #tpu.memory_space<vmem>>) semaphore(%arg7 : memref<!tpu.dma_semaphore, #tpu.memory_space<semaphore_mem>>)
    %dma_wait3A = arith.constant 0 : i32
    %dma_wait3A_7 = arith.constant 0 : i32
    %dma_wait3A_8 = tpu.memref_slice %arg2[%dma_wait3A, %dma_wait3A_7] : memref<12288x768xf32, #tpu.memory_space<hbm>> -> memref<12288x768xf32, #tpu.memory_space<hbm>>
    tpu.wait_indirect_dma semaphore(%arg7 : memref<!tpu.dma_semaphore, #tpu.memory_space<semaphore_mem>>) src(%dma_wait3A_8 : memref<12288x768xf32, #tpu.memory_space<hbm>>) dst(%arg6 : memref<128x768xf32, #tpu.memory_space<vmem>>)
    "tpu.region"() ({
      %run_scoped3A = tpu.sem_alloc : memref<!tpu.dma_semaphore, #tpu.memory_space<semaphore_mem>>
      %dma_start3A_9 = arith.constant 0 : i32
      %dma_start3A_10 = tpu.memref_slice %arg4[%add3A_4, %dma_start3A_9] : memref<4096x768xf32, #tpu.memory_space<hbm>> -> memref<128x768xf32, #tpu.memory_space<hbm>>
      %dma_start3A_11 = arith.constant 0 : i32
      %dma_start3A_12 = tpu.memref_slice %arg4[%add3A_4, %dma_start3A_11] : memref<4096x768xf32, #tpu.memory_space<hbm>> -> memref<128x768xf32, #tpu.memory_space<hbm>>
      tpu.enqueue_dma source(%arg6 : memref<128x768xf32, #tpu.memory_space<vmem>>) target(%dma_start3A_12 : memref<128x768xf32, #tpu.memory_space<hbm>>) target_semaphore(%run_scoped3A : memref<!tpu.dma_semaphore, #tpu.memory_space<semaphore_mem>>)
      %dma_wait3A_13 = arith.constant 0 : i32
      %dma_wait3A_14 = tpu.memref_slice %arg4[%add3A_4, %dma_wait3A_13] : memref<4096x768xf32, #tpu.memory_space<hbm>> -> memref<128x768xf32, #tpu.memory_space<hbm>>
      %dma_wait3A_15 = arith.constant 0 : i32
      %dma_wait3A_16 = tpu.memref_slice %arg4[%add3A_4, %dma_wait3A_15] : memref<4096x768xf32, #tpu.memory_space<hbm>> -> memref<128x768xf32, #tpu.memory_space<hbm>>
      tpu.wait_dma2 semaphore(%run_scoped3A : memref<!tpu.dma_semaphore, #tpu.memory_space<semaphore_mem>>) src(%arg6 : memref<128x768xf32, #tpu.memory_space<vmem>>) dst(%dma_wait3A_16 : memref<128x768xf32, #tpu.memory_space<hbm>>)
      tpu.yield
    }) : () -> ()
    return
  }
}

#map = affine_map<(d0, d1) -> (0, 0)>
#map1 = affine_map<(d0, d1) -> (0)>
module attributes {stable_mosaic.version = 14 : i64} {
  func.func @body(%arg0: i32, %arg1: i32, %arg2: memref<4096x768xf32, #tpu.memory_space<hbm>>, %arg3: memref<4096xi32, #tpu.memory_space<hbm>>, %arg4: memref<12288x768xf32, #tpu.memory_space<hbm>>, %arg5: memref<128xi32, #tpu.memory_space<vmem>>, %arg6: memref<128x768xf32, #tpu.memory_space<vmem>>, %arg7: memref<!tpu.dma_semaphore, #tpu.memory_space<semaphore_mem>>) attributes {dimension_semantics = [#tpu.dimension_semantics<core_parallel>, #tpu.dimension_semantics<subcore_parallel>], iteration_bounds = array<i64: 2, 16>, scalar_prefetch = 0 : i64, scratch_operands = 3 : i64, tpu.core_type = #tpu.core_type<sc_vector_subcore>, window_params = [{transform_indices = #map}, {transform_indices = #map1}, {transform_indices = #map}]} {
    %mul3A = arith.constant 2 : i32
    %mul3A_0 = arith.muli %arg1, %mul3A : i32
    %add3A = arith.addi %mul3A_0, %arg0 : i32
    %mul3A_1 = arith.constant 128 : i32
    %mul3A_2 = arith.muli %add3A, %mul3A_1 : i32
    %add3A_3 = arith.constant 0 : i32
    %add3A_4 = arith.addi %mul3A_2, %add3A_3 : i32
    "tpu.region"() ({
      %run_scoped3A = tpu.sem_alloc : memref<!tpu.dma_semaphore, #tpu.memory_space<semaphore_mem>>
      %dma_start3A_9 = tpu.memref_slice %arg3[%add3A_4] : memref<4096xi32, #tpu.memory_space<hbm>> -> memref<128xi32, #tpu.memory_space<hbm>>
      %dma_start3A_10 = tpu.memref_slice %arg3[%add3A_4] : memref<4096xi32, #tpu.memory_space<hbm>> -> memref<128xi32, #tpu.memory_space<hbm>>
      tpu.enqueue_dma source(%dma_start3A_10 : memref<128xi32, #tpu.memory_space<hbm>>) target(%arg5 : memref<128xi32, #tpu.memory_space<vmem>>) target_semaphore(%run_scoped3A : memref<!tpu.dma_semaphore, #tpu.memory_space<semaphore_mem>>)
      %dma_wait3A_11 = tpu.memref_slice %arg3[%add3A_4] : memref<4096xi32, #tpu.memory_space<hbm>> -> memref<128xi32, #tpu.memory_space<hbm>>
      %dma_wait3A_12 = tpu.memref_slice %arg3[%add3A_4] : memref<4096xi32, #tpu.memory_space<hbm>> -> memref<128xi32, #tpu.memory_space<hbm>>
      tpu.wait_dma2 semaphore(%run_scoped3A : memref<!tpu.dma_semaphore, #tpu.memory_space<semaphore_mem>>) src(%dma_wait3A_12 : memref<128xi32, #tpu.memory_space<hbm>>) dst(%arg5 : memref<128xi32, #tpu.memory_space<vmem>>)
      tpu.yield
    }) : () -> ()
    "tpu.region"() ({
      %run_scoped3A = tpu.sem_alloc : memref<!tpu.dma_semaphore, #tpu.memory_space<semaphore_mem>>
      %dma_start3A_9 = arith.constant 0 : i32
      %dma_start3A_10 = tpu.memref_slice %arg2[%add3A_4, %dma_start3A_9] : memref<4096x768xf32, #tpu.memory_space<hbm>> -> memref<128x768xf32, #tpu.memory_space<hbm>>
      %dma_start3A_11 = arith.constant 0 : i32
      %dma_start3A_12 = tpu.memref_slice %arg2[%add3A_4, %dma_start3A_11] : memref<4096x768xf32, #tpu.memory_space<hbm>> -> memref<128x768xf32, #tpu.memory_space<hbm>>
      tpu.enqueue_dma source(%dma_start3A_12 : memref<128x768xf32, #tpu.memory_space<hbm>>) target(%arg6 : memref<128x768xf32, #tpu.memory_space<vmem>>) target_semaphore(%run_scoped3A : memref<!tpu.dma_semaphore, #tpu.memory_space<semaphore_mem>>)
      %dma_wait3A_13 = arith.constant 0 : i32
      %dma_wait3A_14 = tpu.memref_slice %arg2[%add3A_4, %dma_wait3A_13] : memref<4096x768xf32, #tpu.memory_space<hbm>> -> memref<128x768xf32, #tpu.memory_space<hbm>>
      %dma_wait3A_15 = arith.constant 0 : i32
      %dma_wait3A_16 = tpu.memref_slice %arg2[%add3A_4, %dma_wait3A_15] : memref<4096x768xf32, #tpu.memory_space<hbm>> -> memref<128x768xf32, #tpu.memory_space<hbm>>
      tpu.wait_dma2 semaphore(%run_scoped3A : memref<!tpu.dma_semaphore, #tpu.memory_space<semaphore_mem>>) src(%dma_wait3A_16 : memref<128x768xf32, #tpu.memory_space<hbm>>) dst(%arg6 : memref<128x768xf32, #tpu.memory_space<vmem>>)
      tpu.yield
    }) : () -> ()
    %dma_start3A = arith.constant 0 : i32
    %dma_start3A_5 = arith.constant 0 : i32
    %dma_start3A_6 = tpu.memref_slice %arg4[%dma_start3A, %dma_start3A_5] : memref<12288x768xf32, #tpu.memory_space<hbm>> -> memref<12288x768xf32, #tpu.memory_space<hbm>>
    tpu.enqueue_indirect_dma source(%arg6 : memref<128x768xf32, #tpu.memory_space<vmem>>) target(%dma_start3A_6 : memref<12288x768xf32, #tpu.memory_space<hbm>>) offsets(%arg5 : memref<128xi32, #tpu.memory_space<vmem>>) semaphore(%arg7 : memref<!tpu.dma_semaphore, #tpu.memory_space<semaphore_mem>>)
    %dma_wait3A = arith.constant 0 : i32
    %dma_wait3A_7 = arith.constant 0 : i32
    %dma_wait3A_8 = tpu.memref_slice %arg4[%dma_wait3A, %dma_wait3A_7] : memref<12288x768xf32, #tpu.memory_space<hbm>> -> memref<12288x768xf32, #tpu.memory_space<hbm>>
    tpu.wait_indirect_dma semaphore(%arg7 : memref<!tpu.dma_semaphore, #tpu.memory_space<semaphore_mem>>) src(%arg6 : memref<128x768xf32, #tpu.memory_space<vmem>>) dst(%dma_wait3A_8 : memref<12288x768xf32, #tpu.memory_space<hbm>>)
    return
  }
}

module attributes {stable_mosaic.version = 14 : i64} {
  func.func @body(%arg0: i32, %arg1: memref<96x3xi32, #tpu.memory_space<smem>>, %arg2: memref<128x768xf32, #tpu.memory_space<vmem>>, %arg3: memref<1x768x768xf32, #tpu.memory_space<vmem>>, %arg4: memref<1x768x768xf32, #tpu.memory_space<vmem>>, %arg5: memref<1x768x768xf32, #tpu.memory_space<vmem>>, %arg6: memref<128x768xf32, #tpu.memory_space<vmem>>) attributes {dimension_semantics = [#tpu.dimension_semantics<arbitrary>], iteration_bounds = array<i64: 96>, scalar_prefetch = 1 : i64, scratch_operands = 0 : i64, tpu.core_type = #tpu.core_type<tc>, window_params = [{transform_indices = @transform_0, window_bounds = array<i64: 128, 768>}, {transform_indices = @transform_1, window_bounds = array<i64: 1, 768, 768>}, {transform_indices = @transform_2, window_bounds = array<i64: 1, 768, 768>}, {transform_indices = @transform_3, window_bounds = array<i64: 1, 768, 768>}, {transform_indices = @transform_4, window_bounds = array<i64: 128, 768>}]} {
    %get3A = arith.index_cast %arg0 : i32 to index
    %get3A_0 = arith.constant 2 : index
    %get3A_1 = memref.load %arg1[%get3A, %get3A_0] : memref<96x3xi32, #tpu.memory_space<smem>>
    %eq3A = arith.constant 1 : i32
    %eq3A_2 = arith.cmpi eq, %get3A_1, %eq3A : i32
    %convert_element_type3A = arith.extui %eq3A_2 : i1 to i32
    %cond3A = arith.constant 0 : i32
    %cond3A_3 = arith.cmpi ne, %convert_element_type3A, %cond3A : i32
    scf.if %cond3A_3 {
      %get3A_4 = arith.constant 0 : index
      %get3A_5 = arith.constant 0 : index
      %get3A_6 = vector.load %arg2[%get3A_4, %get3A_5] : memref<128x768xf32, #tpu.memory_space<vmem>>, vector<128x768xf32>
      %get3A_7 = arith.constant 0 : index
      %get3A_8 = arith.constant 0 : index
      %get3A_9 = arith.constant 0 : index
      %get3A_10 = vector.load %arg3[%get3A_7, %get3A_8, %get3A_9] : memref<1x768x768xf32, #tpu.memory_space<vmem>>, vector<1x768x768xf32>
      %get3A_11 = vector.shape_cast %get3A_10 : vector<1x768x768xf32> to vector<768x768xf32>
      %dot_general3A = arith.constant dense<0.000000e+00> : vector<128x768xf32>
      %dot_general3A_12 = tpu.matmul %get3A_6, %get3A_11, %dot_general3A {dimension_numbers = #tpu.dot_dimension_numbers<[1], [1], [0], [0], [0, 0, 1, 0], [], []>, transpose_lhs_hint = false} : vector<128x768xf32>, vector<768x768xf32>, vector<128x768xf32> -> vector<128x768xf32>
      %get3A_13 = arith.constant 0 : index
      %get3A_14 = arith.constant 0 : index
      %get3A_15 = arith.constant 0 : index
      %get3A_16 = vector.load %arg4[%get3A_13, %get3A_14, %get3A_15] : memref<1x768x768xf32, #tpu.memory_space<vmem>>, vector<1x768x768xf32>
      %get3A_17 = vector.shape_cast %get3A_16 : vector<1x768x768xf32> to vector<768x768xf32>
      %dot_general3A_18 = arith.constant dense<0.000000e+00> : vector<128x768xf32>
      %dot_general3A_19 = tpu.matmul %get3A_6, %get3A_17, %dot_general3A_18 {dimension_numbers = #tpu.dot_dimension_numbers<[1], [1], [0], [0], [0, 0, 1, 0], [], []>, transpose_lhs_hint = false} : vector<128x768xf32>, vector<768x768xf32>, vector<128x768xf32> -> vector<128x768xf32>
      %logistic3A = arith.negf %dot_general3A_12 : vector<128x768xf32>
      %logistic3A_20 = math.exp %logistic3A : vector<128x768xf32>
      %logistic3A_21 = arith.constant 1.000000e+00 : f32
      %logistic3A_22 = vector.broadcast %logistic3A_21 : f32 to vector<128x768xf32>
      %logistic3A_23 = arith.addf %logistic3A_22, %logistic3A_20 : vector<128x768xf32>
      %logistic3A_24 = arith.divf %logistic3A_22, %logistic3A_23 : vector<128x768xf32>
      %mul3A = arith.mulf %dot_general3A_12, %logistic3A_24 : vector<128x768xf32>
      %mul3A_25 = arith.mulf %mul3A, %dot_general3A_19 : vector<128x768xf32>
      %get3A_26 = arith.constant 0 : index
      %get3A_27 = arith.constant 0 : index
      %get3A_28 = arith.constant 0 : index
      %get3A_29 = vector.load %arg5[%get3A_26, %get3A_27, %get3A_28] : memref<1x768x768xf32, #tpu.memory_space<vmem>>, vector<1x768x768xf32>
      %get3A_30 = vector.shape_cast %get3A_29 : vector<1x768x768xf32> to vector<768x768xf32>
      %dot_general3A_31 = arith.constant dense<0.000000e+00> : vector<128x768xf32>
      %dot_general3A_32 = tpu.matmul %mul3A_25, %get3A_30, %dot_general3A_31 {dimension_numbers = #tpu.dot_dimension_numbers<[1], [1], [0], [0], [0, 0, 1, 0], [], []>, transpose_lhs_hint = false} : vector<128x768xf32>, vector<768x768xf32>, vector<128x768xf32> -> vector<128x768xf32>
      %swap3A = arith.constant 0 : index
      %swap3A_33 = arith.constant 0 : index
      %swap3A_34 = vector.load %arg6[%swap3A, %swap3A_33] : memref<128x768xf32, #tpu.memory_space<vmem>>, vector<128x768xf32>
      tpu.vector_store %arg6[%swap3A, %swap3A_33], %dot_general3A_32 {strides = array<i32>} : memref<128x768xf32, #tpu.memory_space<vmem>>, vector<128x768xf32>,
    } else {
    }
    return
  }
  func.func @transform_0(%arg0: i32, %arg1: memref<96x3xi32, #tpu.memory_space<smem>>) -> (i32, i32) {
    %get3A = arith.index_cast %arg0 : i32 to index
    %get3A_0 = arith.constant 1 : index
    %get3A_1 = memref.load %arg1[%get3A, %get3A_0] : memref<96x3xi32, #tpu.memory_space<smem>>
    %c0_i32 = arith.constant 0 : i32
    %c0_i32_2 = arith.constant 0 : i32
    return %get3A_1, %c0_i32 : i32, i32
  }
  func.func @transform_1(%arg0: i32, %arg1: memref<96x3xi32, #tpu.memory_space<smem>>) -> (i32, i32, i32) {
    %get3A = arith.index_cast %arg0 : i32 to index
    %get3A_0 = arith.constant 0 : index
    %get3A_1 = memref.load %arg1[%get3A, %get3A_0] : memref<96x3xi32, #tpu.memory_space<smem>>
    %c0_i32 = arith.constant 0 : i32
    %c0_i32_2 = arith.constant 0 : i32
    %c0_i32_3 = arith.constant 0 : i32
    return %get3A_1, %c0_i32, %c0_i32_2 : i32, i32, i32
  }
  func.func @transform_2(%arg0: i32, %arg1: memref<96x3xi32, #tpu.memory_space<smem>>) -> (i32, i32, i32) {
    %get3A = arith.index_cast %arg0 : i32 to index
    %get3A_0 = arith.constant 0 : index
    %get3A_1 = memref.load %arg1[%get3A, %get3A_0] : memref<96x3xi32, #tpu.memory_space<smem>>
    %c0_i32 = arith.constant 0 : i32
    %c0_i32_2 = arith.constant 0 : i32
    %c0_i32_3 = arith.constant 0 : i32
    return %get3A_1, %c0_i32, %c0_i32_2 : i32, i32, i32
  }
  func.func @transform_3(%arg0: i32, %arg1: memref<96x3xi32, #tpu.memory_space<smem>>) -> (i32, i32, i32) {
    %get3A = arith.index_cast %arg0 : i32 to index
    %get3A_0 = arith.constant 0 : index
    %get3A_1 = memref.load %arg1[%get3A, %get3A_0] : memref<96x3xi32, #tpu.memory_space<smem>>
    %c0_i32 = arith.constant 0 : i32
    %c0_i32_2 = arith.constant 0 : i32
    %c0_i32_3 = arith.constant 0 : i32
    return %get3A_1, %c0_i32, %c0_i32_2 : i32, i32, i32
  }
  func.func @transform_4(%arg0: i32, %arg1: memref<96x3xi32, #tpu.memory_space<smem>>) -> (i32, i32) {
    %get3A = arith.index_cast %arg0 : i32 to index
    %get3A_0 = arith.constant 1 : index
    %get3A_1 = memref.load %arg1[%get3A, %get3A_0] : memref<96x3xi32, #tpu.memory_space<smem>>
    %c0_i32 = arith.constant 0 : i32
    %c0_i32_2 = arith.constant 0 : i32
    return %get3A_1, %c0_i32 : i32, i32
  }
}

module attributes {stable_mosaic.version = 14 : i64} {
  func.func @body(%arg0: i32, %arg1: memref<1024x768xf32, #tpu.memory_space<vmem>>, %arg2: memref<64x768xf32, #tpu.memory_space<vmem>>, %arg3: memref<4096x1xi32, #tpu.memory_space<vmem>>, %arg4: memref<96x3xi32, #tpu.memory_space<vmem>>, %arg5: memref<1x64xf32, #tpu.memory_space<vmem>>, %arg6: memref<4096x1xi32, #tpu.memory_space<vmem>>, %arg7: memref<4096x1xf32, #tpu.memory_space<vmem>>) attributes {dimension_semantics = [#tpu.dimension_semantics<arbitrary>], iteration_bounds = array<i64: 5>, scalar_prefetch = 0 : i64, scratch_operands = 3 : i64, tpu.core_type = #tpu.core_type<tc>, window_params = [{transform_indices = @transform_0, window_bounds = array<i64: 1024, 768>}, {pipeline_mode = #tpu.pipeline_mode<synchronous>, transform_indices = @transform_1, window_bounds = array<i64: 64, 768>}, {pipeline_mode = #tpu.pipeline_mode<synchronous>, transform_indices = @transform_2, window_bounds = array<i64: 4096, 1>}, {pipeline_mode = #tpu.pipeline_mode<synchronous>, transform_indices = @transform_3, window_bounds = array<i64: 96, 3>}]} {
    %eq3A = arith.constant 0 : i32
    %eq3A_0 = arith.cmpi eq, %arg0, %eq3A : i32
    %convert_element_type3A = arith.extui %eq3A_0 : i1 to i32
    %cond3A = arith.constant 0 : i32
    %cond3A_1 = arith.cmpi ne, %convert_element_type3A, %cond3A : i32
    scf.if %cond3A_1 {
      %broadcast_in_dim3A = arith.constant 0.000000e+00 : f32
      %broadcast_in_dim3A_11 = vector.broadcast %broadcast_in_dim3A : f32 to vector<1x64xf32>
      %swap3A = arith.constant 0 : index
      %swap3A_12 = arith.constant 0 : index
      %swap3A_13 = vector.load %arg5[%swap3A, %swap3A_12] : memref<1x64xf32, #tpu.memory_space<vmem>>, vector<1x64xf32>
      tpu.vector_store %arg5[%swap3A, %swap3A_12], %broadcast_in_dim3A_11 {strides = array<i32>} : memref<1x64xf32, #tpu.memory_space<vmem>>, vector<1x64xf32>,
    } else {
    }
    %lt3A = arith.constant 4 : i32
    %lt3A_2 = arith.cmpi slt, %arg0, %lt3A : i32
    %convert_element_type3A_3 = arith.extui %lt3A_2 : i1 to i32
    %cond3A_4 = arith.constant 0 : i32
    %cond3A_5 = arith.cmpi ne, %convert_element_type3A_3, %cond3A_4 : i32
    scf.if %cond3A_5 {
      %get3A = arith.constant 0 : index
      %get3A_11 = arith.constant 0 : index
      %get3A_12 = vector.load %arg1[%get3A, %get3A_11] : memref<1024x768xf32, #tpu.memory_space<vmem>>, vector<1024x768xf32>
      %get3A_13 = arith.constant 0 : index
      %get3A_14 = arith.constant 0 : index
      %get3A_15 = vector.load %arg2[%get3A_13, %get3A_14] : memref<64x768xf32, #tpu.memory_space<vmem>>, vector<64x768xf32>
      %dot_general3A = arith.constant dense<0.000000e+00> : vector<1024x64xf32>
      %dot_general3A_16 = tpu.matmul %get3A_12, %get3A_15, %dot_general3A {dimension_numbers = #tpu.dot_dimension_numbers<[1], [1], [0], [0], [0, 0, 1, 0], [], []>, transpose_lhs_hint = false} : vector<1024x768xf32>, vector<64x768xf32>, vector<1024x64xf32> -> vector<1024x64xf32>
      %reduce_max3A = arith.constant dense<0xFF800000> : vector<1024xf32>
      %reduce_max3A_17 = vector.multi_reduction <maximumf>, %dot_general3A_16, %reduce_max3A [1] : vector<1024x64xf32> to vector<1024xf32>
      %broadcast_in_dim3A = vector.shape_cast %reduce_max3A_17 : vector<1024xf32> to vector<1024x1xf32>
      %sub3A = vector.broadcast %broadcast_in_dim3A : vector<1024x1xf32> to vector<1024x64xf32>
      %sub3A_18 = arith.subf %dot_general3A_16, %sub3A : vector<1024x64xf32>
      %exp3A = math.exp %sub3A_18 : vector<1024x64xf32>
      %reduce_max3A_19 = arith.constant dense<0xFF800000> : vector<1024xf32>
      %reduce_max3A_20 = vector.multi_reduction <maximumf>, %exp3A, %reduce_max3A_19 [1] : vector<1024x64xf32> to vector<1024xf32>
      %broadcast_in_dim3A_21 = vector.shape_cast %reduce_max3A_20 : vector<1024xf32> to vector<1024x1xf32>
      %iota3A = tpu.iota {dimensions = array<i32: 1>} : vector<1024x64xi32>
      %ge3A = vector.broadcast %broadcast_in_dim3A_21 : vector<1024x1xf32> to vector<1024x64xf32>
      %ge3A_22 = arith.cmpf oge, %exp3A, %ge3A : vector<1024x64xf32>
      %jit3A = arith.constant 1073741824 : i32
      %broadcast_in_dim3A_23 = vector.broadcast %jit3A : i32 to vector<1024x64xi32>
      %select_n3A = arith.select %ge3A_22, %iota3A, %broadcast_in_dim3A_23 : vector<1024x64xi1>, vector<1024x64xi32>
      %reduce_min3A = arith.constant dense<2147483647> : vector<1024xi32>
      %reduce_min3A_24 = vector.multi_reduction <minsi>, %select_n3A, %reduce_min3A [1] : vector<1024x64xi32> to vector<1024xi32>
      %broadcast_in_dim3A_25 = vector.shape_cast %reduce_min3A_24 : vector<1024xi32> to vector<1024x1xi32>
      %eq3A_26 = vector.broadcast %broadcast_in_dim3A_25 : vector<1024x1xi32> to vector<1024x64xi32>
      %eq3A_27 = arith.cmpi eq, %iota3A, %eq3A_26 : vector<1024x64xi32>
      %convert_element_type3A_28 = arith.extui %eq3A_27 : vector<1024x64xi1> to vector<1024x64xi32>
      %convert_element_type3A_29 = arith.sitofp %convert_element_type3A_28 : vector<1024x64xi32> to vector<1024x64xf32>
      %iota3A_30 = tpu.iota {dimensions = array<i32: 0>} : vector<1024x1024xi32>
      %iota3A_31 = tpu.iota {dimensions = array<i32: 1>} : vector<1024x1024xi32>
      %gt3A = arith.cmpi sgt, %iota3A_30, %iota3A_31 : vector<1024x1024xi32>
      %convert_element_type3A_32 = arith.extui %gt3A : vector<1024x1024xi1> to vector<1024x1024xi32>
      %convert_element_type3A_33 = arith.sitofp %convert_element_type3A_32 : vector<1024x1024xi32> to vector<1024x1024xf32>
      %dot_general3A_34 = arith.constant dense<0.000000e+00> : vector<1024x64xf32>
      %dot_general3A_35 = tpu.matmul %convert_element_type3A_33, %convert_element_type3A_29, %dot_general3A_34 {dimension_numbers = #tpu.dot_dimension_numbers<[1], [0], [0], [1], [0, 0, 1, 1], [], []>, transpose_lhs_hint = false} : vector<1024x1024xf32>, vector<1024x64xf32>, vector<1024x64xf32> -> vector<1024x64xf32>
      %get3A_36 = arith.constant 0 : index
      %get3A_37 = arith.constant 0 : index
      %get3A_38 = vector.load %arg5[%get3A_36, %get3A_37] : memref<1x64xf32, #tpu.memory_space<vmem>>, vector<1x64xf32>
      %add3A = vector.broadcast %get3A_38 : vector<1x64xf32> to vector<1024x64xf32>
      %add3A_39 = arith.addf %add3A, %dot_general3A_35 : vector<1024x64xf32>
      %mul3A = arith.mulf %convert_element_type3A_29, %add3A_39 : vector<1024x64xf32>
      %reduce_sum3A = arith.constant dense<0.000000e+00> : vector<1024xf32>
      %reduce_sum3A_40 = vector.multi_reduction <add>, %mul3A, %reduce_sum3A [1] : vector<1024x64xf32> to vector<1024xf32>
      %broadcast_in_dim3A_41 = vector.shape_cast %reduce_sum3A_40 : vector<1024xf32> to vector<1024x1xf32>
      %mul3A_42 = arith.constant 1024 : i32
      %mul3A_43 = arith.muli %arg0, %mul3A_42 : i32
      %swap3A = arith.index_cast %mul3A_43 : i32 to index
      %swap3A_44 = arith.constant 0 : index
      %swap3A_45 = vector.load %arg6[%swap3A, %swap3A_44] : memref<4096x1xi32, #tpu.memory_space<vmem>>, vector<1024x1xi32>
      tpu.vector_store %arg6[%swap3A, %swap3A_44], %broadcast_in_dim3A_25 {strides = array<i32>} : memref<4096x1xi32, #tpu.memory_space<vmem>>, vector<1024x1xi32>,
      %swap3A_46 = arith.index_cast %mul3A_43 : i32 to index
      %swap3A_47 = arith.constant 0 : index
      %swap3A_48 = vector.load %arg7[%swap3A_46, %swap3A_47] : memref<4096x1xf32, #tpu.memory_space<vmem>>, vector<1024x1xf32>
      tpu.vector_store %arg7[%swap3A_46, %swap3A_47], %broadcast_in_dim3A_41 {strides = array<i32>} : memref<4096x1xf32, #tpu.memory_space<vmem>>, vector<1024x1xf32>,
      %get3A_49 = arith.constant 0 : index
      %get3A_50 = arith.constant 0 : index
      %get3A_51 = vector.load %arg5[%get3A_49, %get3A_50] : memref<1x64xf32, #tpu.memory_space<vmem>>, vector<1x64xf32>
      %reduce_sum3A_52 = arith.constant dense<0.000000e+00> : vector<64xf32>
      %reduce_sum3A_53 = vector.multi_reduction <add>, %convert_element_type3A_29, %reduce_sum3A_52 [0] : vector<1024x64xf32> to vector<64xf32>
      %broadcast_in_dim3A_54 = vector.shape_cast %reduce_sum3A_53 : vector<64xf32> to vector<1x64xf32>
      %add3A_55 = arith.addf %get3A_51, %broadcast_in_dim3A_54 : vector<1x64xf32>
      %swap3A_56 = arith.constant 0 : index
      %swap3A_57 = arith.constant 0 : index
      %swap3A_58 = vector.load %arg5[%swap3A_56, %swap3A_57] : memref<1x64xf32, #tpu.memory_space<vmem>>, vector<1x64xf32>
      tpu.vector_store %arg5[%swap3A_56, %swap3A_57], %add3A_55 {strides = array<i32>} : memref<1x64xf32, #tpu.memory_space<vmem>>, vector<1x64xf32>,
    } else {
    }
    %eq3A_6 = arith.constant 4 : i32
    %eq3A_7 = arith.cmpi eq, %arg0, %eq3A_6 : i32
    %convert_element_type3A_8 = arith.extui %eq3A_7 : i1 to i32
    %cond3A_9 = arith.constant 0 : i32
    %cond3A_10 = arith.cmpi ne, %convert_element_type3A_8, %cond3A_9 : i32
    scf.if %cond3A_10 {
      %get3A = arith.constant 0 : index
      %get3A_11 = arith.constant 0 : index
      %get3A_12 = vector.load %arg5[%get3A, %get3A_11] : memref<1x64xf32, #tpu.memory_space<vmem>>, vector<1x64xf32>
      %add3A = arith.constant 1.270000e+02 : f32
      %add3A_13 = vector.broadcast %add3A : f32 to vector<1x64xf32>
      %add3A_14 = arith.addf %get3A_12, %add3A_13 : vector<1x64xf32>
      %mul3A = arith.constant 7.812500e-03 : f32
      %mul3A_15 = vector.broadcast %mul3A : f32 to vector<1x64xf32>
      %mul3A_16 = arith.mulf %add3A_14, %mul3A_15 : vector<1x64xf32>
      %floor3A = math.floor %mul3A_16 : vector<1x64xf32>
      %iota3A = tpu.iota {dimensions = array<i32: 0>} : vector<64x64xi32>
      %iota3A_17 = tpu.iota {dimensions = array<i32: 1>} : vector<64x64xi32>
      %le3A = arith.cmpi sle, %iota3A, %iota3A_17 : vector<64x64xi32>
      %convert_element_type3A_18 = arith.extui %le3A : vector<64x64xi1> to vector<64x64xi32>
      %convert_element_type3A_19 = arith.sitofp %convert_element_type3A_18 : vector<64x64xi32> to vector<64x64xf32>
      %lt3A_20 = arith.cmpi slt, %iota3A, %iota3A_17 : vector<64x64xi32>
      %convert_element_type3A_21 = arith.extui %lt3A_20 : vector<64x64xi1> to vector<64x64xi32>
      %convert_element_type3A_22 = arith.sitofp %convert_element_type3A_21 : vector<64x64xi32> to vector<64x64xf32>
      %dot_general3A = arith.constant dense<0.000000e+00> : vector<1x64xf32>
      %dot_general3A_23 = tpu.matmul %floor3A, %convert_element_type3A_19, %dot_general3A {dimension_numbers = #tpu.dot_dimension_numbers<[1], [0], [0], [1], [0, 0, 1, 1], [], []>, transpose_lhs_hint = false} : vector<1x64xf32>, vector<64x64xf32>, vector<1x64xf32> -> vector<1x64xf32>
      %dot_general3A_24 = arith.constant dense<0.000000e+00> : vector<1x64xf32>
      %dot_general3A_25 = tpu.matmul %floor3A, %convert_element_type3A_22, %dot_general3A_24 {dimension_numbers = #tpu.dot_dimension_numbers<[1], [0], [0], [1], [0, 0, 1, 1], [], []>, transpose_lhs_hint = false} : vector<1x64xf32>, vector<64x64xf32>, vector<1x64xf32> -> vector<1x64xf32>
      %mul3A_26 = arith.constant 1.280000e+02 : f32
      %mul3A_27 = vector.broadcast %mul3A_26 : f32 to vector<1x64xf32>
      %mul3A_28 = arith.mulf %dot_general3A_25, %mul3A_27 : vector<1x64xf32>
      %get3A_29 = arith.constant 0 : index
      %get3A_30 = arith.constant 0 : index
      %get3A_31 = vector.load %arg6[%get3A_29, %get3A_30] : memref<4096x1xi32, #tpu.memory_space<vmem>>, vector<1024x1xi32>
      %iota3A_32 = tpu.iota {dimensions = array<i32: 1>} : vector<1024x64xi32>
      %eq3A_33 = vector.broadcast %get3A_31 : vector<1024x1xi32> to vector<1024x64xi32>
      %eq3A_34 = arith.cmpi eq, %iota3A_32, %eq3A_33 : vector<1024x64xi32>
      %convert_element_type3A_35 = arith.extui %eq3A_34 : vector<1024x64xi1> to vector<1024x64xi32>
      %convert_element_type3A_36 = arith.sitofp %convert_element_type3A_35 : vector<1024x64xi32> to vector<1024x64xf32>
      %get3A_37 = arith.constant 0 : index
      %get3A_38 = arith.constant 0 : index
      %get3A_39 = vector.load %arg7[%get3A_37, %get3A_38] : memref<4096x1xf32, #tpu.memory_space<vmem>>, vector<1024x1xf32>
      %mul3A_40 = vector.broadcast %mul3A_28 : vector<1x64xf32> to vector<1024x64xf32>
      %mul3A_41 = arith.mulf %convert_element_type3A_36, %mul3A_40 : vector<1024x64xf32>
      %reduce_sum3A = arith.constant dense<0.000000e+00> : vector<1024xf32>
      %reduce_sum3A_42 = vector.multi_reduction <add>, %mul3A_41, %reduce_sum3A [1] : vector<1024x64xf32> to vector<1024xf32>
      %broadcast_in_dim3A = vector.shape_cast %reduce_sum3A_42 : vector<1024xf32> to vector<1024x1xf32>
      %add3A_43 = arith.addf %get3A_39, %broadcast_in_dim3A : vector<1024x1xf32>
      %convert_element_type3A_44 = arith.fptosi %add3A_43 : vector<1024x1xf32> to vector<1024x1xi32>
      %swap3A = arith.constant 0 : index
      %swap3A_45 = arith.constant 0 : index
      %swap3A_46 = vector.load %arg3[%swap3A, %swap3A_45] : memref<4096x1xi32, #tpu.memory_space<vmem>>, vector<1024x1xi32>
      tpu.vector_store %arg3[%swap3A, %swap3A_45], %convert_element_type3A_44 {strides = array<i32>} : memref<4096x1xi32, #tpu.memory_space<vmem>>, vector<1024x1xi32>,
      %get3A_47 = arith.constant 1024 : index
      %get3A_48 = arith.constant 0 : index
      %get3A_49 = vector.load %arg6[%get3A_47, %get3A_48] : memref<4096x1xi32, #tpu.memory_space<vmem>>, vector<1024x1xi32>
      %iota3A_50 = tpu.iota {dimensions = array<i32: 1>} : vector<1024x64xi32>
      %eq3A_51 = vector.broadcast %get3A_49 : vector<1024x1xi32> to vector<1024x64xi32>
      %eq3A_52 = arith.cmpi eq, %iota3A_50, %eq3A_51 : vector<1024x64xi32>
      %convert_element_type3A_53 = arith.extui %eq3A_52 : vector<1024x64xi1> to vector<1024x64xi32>
      %convert_element_type3A_54 = arith.sitofp %convert_element_type3A_53 : vector<1024x64xi32> to vector<1024x64xf32>
      %get3A_55 = arith.constant 1024 : index
      %get3A_56 = arith.constant 0 : index
      %get3A_57 = vector.load %arg7[%get3A_55, %get3A_56] : memref<4096x1xf32, #tpu.memory_space<vmem>>, vector<1024x1xf32>
      %mul3A_58 = vector.broadcast %mul3A_28 : vector<1x64xf32> to vector<1024x64xf32>
      %mul3A_59 = arith.mulf %convert_element_type3A_54, %mul3A_58 : vector<1024x64xf32>
      %reduce_sum3A_60 = arith.constant dense<0.000000e+00> : vector<1024xf32>
      %reduce_sum3A_61 = vector.multi_reduction <add>, %mul3A_59, %reduce_sum3A_60 [1] : vector<1024x64xf32> to vector<1024xf32>
      %broadcast_in_dim3A_62 = vector.shape_cast %reduce_sum3A_61 : vector<1024xf32> to vector<1024x1xf32>
      %add3A_63 = arith.addf %get3A_57, %broadcast_in_dim3A_62 : vector<1024x1xf32>
      %convert_element_type3A_64 = arith.fptosi %add3A_63 : vector<1024x1xf32> to vector<1024x1xi32>
      %swap3A_65 = arith.constant 1024 : index
      %swap3A_66 = arith.constant 0 : index
      %swap3A_67 = vector.load %arg3[%swap3A_65, %swap3A_66] : memref<4096x1xi32, #tpu.memory_space<vmem>>, vector<1024x1xi32>
      tpu.vector_store %arg3[%swap3A_65, %swap3A_66], %convert_element_type3A_64 {strides = array<i32>} : memref<4096x1xi32, #tpu.memory_space<vmem>>, vector<1024x1xi32>,
      %get3A_68 = arith.constant 2048 : index
      %get3A_69 = arith.constant 0 : index
      %get3A_70 = vector.load %arg6[%get3A_68, %get3A_69] : memref<4096x1xi32, #tpu.memory_space<vmem>>, vector<1024x1xi32>
      %iota3A_71 = tpu.iota {dimensions = array<i32: 1>} : vector<1024x64xi32>
      %eq3A_72 = vector.broadcast %get3A_70 : vector<1024x1xi32> to vector<1024x64xi32>
      %eq3A_73 = arith.cmpi eq, %iota3A_71, %eq3A_72 : vector<1024x64xi32>
      %convert_element_type3A_74 = arith.extui %eq3A_73 : vector<1024x64xi1> to vector<1024x64xi32>
      %convert_element_type3A_75 = arith.sitofp %convert_element_type3A_74 : vector<1024x64xi32> to vector<1024x64xf32>
      %get3A_76 = arith.constant 2048 : index
      %get3A_77 = arith.constant 0 : index
      %get3A_78 = vector.load %arg7[%get3A_76, %get3A_77] : memref<4096x1xf32, #tpu.memory_space<vmem>>, vector<1024x1xf32>
      %mul3A_79 = vector.broadcast %mul3A_28 : vector<1x64xf32> to vector<1024x64xf32>
      %mul3A_80 = arith.mulf %convert_element_type3A_75, %mul3A_79 : vector<1024x64xf32>
      %reduce_sum3A_81 = arith.constant dense<0.000000e+00> : vector<1024xf32>
      %reduce_sum3A_82 = vector.multi_reduction <add>, %mul3A_80, %reduce_sum3A_81 [1] : vector<1024x64xf32> to vector<1024xf32>
      %broadcast_in_dim3A_83 = vector.shape_cast %reduce_sum3A_82 : vector<1024xf32> to vector<1024x1xf32>
      %add3A_84 = arith.addf %get3A_78, %broadcast_in_dim3A_83 : vector<1024x1xf32>
      %convert_element_type3A_85 = arith.fptosi %add3A_84 : vector<1024x1xf32> to vector<1024x1xi32>
      %swap3A_86 = arith.constant 2048 : index
      %swap3A_87 = arith.constant 0 : index
      %swap3A_88 = vector.load %arg3[%swap3A_86, %swap3A_87] : memref<4096x1xi32, #tpu.memory_space<vmem>>, vector<1024x1xi32>
      tpu.vector_store %arg3[%swap3A_86, %swap3A_87], %convert_element_type3A_85 {strides = array<i32>} : memref<4096x1xi32, #tpu.memory_space<vmem>>, vector<1024x1xi32>,
      %get3A_89 = arith.constant 3072 : index
      %get3A_90 = arith.constant 0 : index
      %get3A_91 = vector.load %arg6[%get3A_89, %get3A_90] : memref<4096x1xi32, #tpu.memory_space<vmem>>, vector<1024x1xi32>
      %iota3A_92 = tpu.iota {dimensions = array<i32: 1>} : vector<1024x64xi32>
      %eq3A_93 = vector.broadcast %get3A_91 : vector<1024x1xi32> to vector<1024x64xi32>
      %eq3A_94 = arith.cmpi eq, %iota3A_92, %eq3A_93 : vector<1024x64xi32>
      %convert_element_type3A_95 = arith.extui %eq3A_94 : vector<1024x64xi1> to vector<1024x64xi32>
      %convert_element_type3A_96 = arith.sitofp %convert_element_type3A_95 : vector<1024x64xi32> to vector<1024x64xf32>
      %get3A_97 = arith.constant 3072 : index
      %get3A_98 = arith.constant 0 : index
      %get3A_99 = vector.load %arg7[%get3A_97, %get3A_98] : memref<4096x1xf32, #tpu.memory_space<vmem>>, vector<1024x1xf32>
      %mul3A_100 = vector.broadcast %mul3A_28 : vector<1x64xf32> to vector<1024x64xf32>
      %mul3A_101 = arith.mulf %convert_element_type3A_96, %mul3A_100 : vector<1024x64xf32>
      %reduce_sum3A_102 = arith.constant dense<0.000000e+00> : vector<1024xf32>
      %reduce_sum3A_103 = vector.multi_reduction <add>, %mul3A_101, %reduce_sum3A_102 [1] : vector<1024x64xf32> to vector<1024xf32>
      %broadcast_in_dim3A_104 = vector.shape_cast %reduce_sum3A_103 : vector<1024xf32> to vector<1024x1xf32>
      %add3A_105 = arith.addf %get3A_99, %broadcast_in_dim3A_104 : vector<1024x1xf32>
      %convert_element_type3A_106 = arith.fptosi %add3A_105 : vector<1024x1xf32> to vector<1024x1xi32>
      %swap3A_107 = arith.constant 3072 : index
      %swap3A_108 = arith.constant 0 : index
      %swap3A_109 = vector.load %arg3[%swap3A_107, %swap3A_108] : memref<4096x1xi32, #tpu.memory_space<vmem>>, vector<1024x1xi32>
      tpu.vector_store %arg3[%swap3A_107, %swap3A_108], %convert_element_type3A_106 {strides = array<i32>} : memref<4096x1xi32, #tpu.memory_space<vmem>>, vector<1024x1xi32>,
      %iota3A_110 = tpu.iota {dimensions = array<i32: 0>} : vector<96x64xi32>
      %convert_element_type3A_111 = arith.sitofp %iota3A_110 : vector<96x64xi32> to vector<96x64xf32>
      %broadcast_in_dim3A_112 = vector.shape_cast %dot_general3A_23 : vector<1x64xf32> to vector<1x64xf32>
      %broadcast_in_dim3A_113 = vector.broadcast %broadcast_in_dim3A_112 : vector<1x64xf32> to vector<96x64xf32>
      %le3A_114 = arith.cmpf ole, %broadcast_in_dim3A_113, %convert_element_type3A_111 : vector<96x64xf32>
      %convert_element_type3A_115 = arith.extui %le3A_114 : vector<96x64xi1> to vector<96x64xi32>
      %reduce_sum3A_116 = arith.constant dense<0> : vector<96xi32>
      %reduce_sum3A_117 = vector.multi_reduction <add>, %convert_element_type3A_115, %reduce_sum3A_116 [1] : vector<96x64xi32> to vector<96xi32>
      %broadcast_in_dim3A_118 = vector.shape_cast %reduce_sum3A_117 : vector<96xi32> to vector<96x1xi32>
      %reduce_max3A = arith.constant dense<0xFF800000> : vector<1xf32>
      %reduce_max3A_119 = vector.multi_reduction <maximumf>, %dot_general3A_23, %reduce_max3A [1] : vector<1x64xf32> to vector<1xf32>
      %broadcast_in_dim3A_120 = vector.shape_cast %reduce_max3A_119 : vector<1xf32> to vector<1x1xf32>
      %iota3A_121 = tpu.iota {dimensions = array<i32: 1>} : vector<1x64xi32>
      %convert_element_type3A_122 = arith.sitofp %iota3A_121 : vector<1x64xi32> to vector<1x64xf32>
      %gt3A = arith.constant 0.000000e+00 : f32
      %gt3A_123 = vector.broadcast %gt3A : f32 to vector<1x64xf32>
      %gt3A_124 = arith.cmpf ogt, %get3A_12, %gt3A_123 : vector<1x64xf32>
      %jit3A = arith.constant -1.000000e+00 : f32
      %broadcast_in_dim3A_125 = vector.broadcast %jit3A : f32 to vector<1x64xf32>
      %select_n3A = arith.select %gt3A_124, %convert_element_type3A_122, %broadcast_in_dim3A_125 : vector<1x64xi1>, vector<1x64xf32>
      %reduce_max3A_126 = arith.constant dense<0xFF800000> : vector<1xf32>
      %reduce_max3A_127 = vector.multi_reduction <maximumf>, %select_n3A, %reduce_max3A_126 [1] : vector<1x64xf32> to vector<1xf32>
      %broadcast_in_dim3A_128 = vector.shape_cast %reduce_max3A_127 : vector<1xf32> to vector<1x1xf32>
      %iota3A_129 = tpu.iota {dimensions = array<i32: 0>} : vector<96x1xi32>
      %convert_element_type3A_130 = arith.sitofp %iota3A_129 : vector<96x1xi32> to vector<96x1xf32>
      %broadcast_in_dim3A_131 = vector.shape_cast %broadcast_in_dim3A_120 : vector<1x1xf32> to vector<1x1xf32>
      %broadcast_in_dim3A_132 = vector.broadcast %broadcast_in_dim3A_131 : vector<1x1xf32> to vector<96x1xf32>
      %lt3A_133 = arith.cmpf olt, %convert_element_type3A_130, %broadcast_in_dim3A_132 : vector<96x1xf32>
      %broadcast_in_dim3A_134 = vector.shape_cast %broadcast_in_dim3A_128 : vector<1x1xf32> to vector<1x1xf32>
      %broadcast_in_dim3A_135 = vector.broadcast %broadcast_in_dim3A_134 : vector<1x1xf32> to vector<96x1xf32>
      %convert_element_type3A_136 = arith.fptosi %broadcast_in_dim3A_135 : vector<96x1xf32> to vector<96x1xi32>
      %min3A = arith.constant 63 : i32
      %min3A_137 = vector.broadcast %min3A : i32 to vector<96x1xi32>
      %min3A_138 = arith.minsi %broadcast_in_dim3A_118, %min3A_137 : vector<96x1xi32>
      %select_n3A_139 = arith.select %lt3A_133, %min3A_138, %convert_element_type3A_136 : vector<96x1xi1>, vector<96x1xi32>
      %swap3A_140 = arith.constant 0 : index
      %swap3A_141 = arith.constant 0 : index
      %swap3A_142 = vector.load %arg4[%swap3A_140, %swap3A_141] : memref<96x3xi32, #tpu.memory_space<vmem>>, vector<96x1xi32>
      tpu.vector_store %arg4[%swap3A_140, %swap3A_141], %select_n3A_139 {strides = array<i32>} : memref<96x3xi32, #tpu.memory_space<vmem>>, vector<96x1xi32>,
      %sub3A = arith.constant 1.000000e+00 : f32
      %sub3A_143 = vector.broadcast %sub3A : f32 to vector<1x1xf32>
      %sub3A_144 = arith.subf %broadcast_in_dim3A_120, %sub3A_143 : vector<1x1xf32>
      %broadcast_in_dim3A_145 = vector.shape_cast %sub3A_144 : vector<1x1xf32> to vector<1x1xf32>
      %broadcast_in_dim3A_146 = vector.broadcast %broadcast_in_dim3A_145 : vector<1x1xf32> to vector<96x1xf32>
      %min3A_147 = arith.minimumf %convert_element_type3A_130, %broadcast_in_dim3A_146 : vector<96x1xf32>
      %convert_element_type3A_148 = arith.fptosi %min3A_147 : vector<96x1xf32> to vector<96x1xi32>
      %swap3A_149 = arith.constant 0 : index
      %swap3A_150 = arith.constant 1 : index
      %swap3A_151 = vector.load %arg4[%swap3A_149, %swap3A_150] : memref<96x3xi32, #tpu.memory_space<vmem>>, vector<96x1xi32>
      tpu.vector_store %arg4[%swap3A_149, %swap3A_150], %convert_element_type3A_148 {strides = array<i32>} : memref<96x3xi32, #tpu.memory_space<vmem>>, vector<96x1xi32>,
      %convert_element_type3A_152 = arith.extui %lt3A_133 : vector<96x1xi1> to vector<96x1xi32>
      %swap3A_153 = arith.constant 0 : index
      %swap3A_154 = arith.constant 2 : index
      %swap3A_155 = vector.load %arg4[%swap3A_153, %swap3A_154] : memref<96x3xi32, #tpu.memory_space<vmem>>, vector<96x1xi32>
      tpu.vector_store %arg4[%swap3A_153, %swap3A_154], %convert_element_type3A_152 {strides = array<i32>} : memref<96x3xi32, #tpu.memory_space<vmem>>, vector<96x1xi32>,
    } else {
    }
    return
  }
  func.func @transform_0(%arg0: i32) -> (i32, i32) {
    %min3A = arith.constant 3 : i32
    %min3A_0 = arith.minsi %arg0, %min3A : i32
    %c0_i32 = arith.constant 0 : i32
    %c0_i32_1 = arith.constant 0 : i32
    return %min3A_0, %c0_i32 : i32, i32
  }
  func.func @transform_1(%arg0: i32) -> (i32, i32) {
    %c0_i32 = arith.constant 0 : i32
    %c0_i32_0 = arith.constant 0 : i32
    %c0_i32_1 = arith.constant 0 : i32
    return %c0_i32, %c0_i32_0 : i32, i32
  }
  func.func @transform_2(%arg0: i32) -> (i32, i32) {
    %c0_i32 = arith.constant 0 : i32
    %c0_i32_0 = arith.constant 0 : i32
    %c0_i32_1 = arith.constant 0 : i32
    return %c0_i32, %c0_i32_0 : i32, i32
  }
  func.func @transform_3(%arg0: i32) -> (i32, i32) {
    %c0_i32 = arith.constant 0 : i32
    %c0_i32_0 = arith.constant 0 : i32
    %c0_i32_1 = arith.constant 0 : i32
    return %c0_i32, %c0_i32_0 : i32, i32
  }
}

module attributes {stable_mosaic.version = 14 : i64} {
  func.func @body(%arg0: i32, %arg1: memref<1024x768xf32, #tpu.memory_space<vmem>>, %arg2: memref<768x768xf32, #tpu.memory_space<vmem>>, %arg3: memref<768x768xf32, #tpu.memory_space<vmem>>, %arg4: memref<768x768xf32, #tpu.memory_space<vmem>>, %arg5: memref<1024x768xf32, #tpu.memory_space<vmem>>, %arg6: memref<1x768xf32, #tpu.memory_space<vmem>>, %arg7: memref<1024x768xf32, #tpu.memory_space<vmem>>) attributes {dimension_semantics = [#tpu.dimension_semantics<arbitrary>], iteration_bounds = array<i64: 4>, scalar_prefetch = 0 : i64, scratch_operands = 0 : i64, tpu.core_type = #tpu.core_type<tc>, window_params = [{transform_indices = @transform_0, window_bounds = array<i64: 1024, 768>}, {pipeline_mode = #tpu.pipeline_mode<synchronous>, transform_indices = @transform_1, window_bounds = array<i64: 768, 768>}, {pipeline_mode = #tpu.pipeline_mode<synchronous>, transform_indices = @transform_2, window_bounds = array<i64: 768, 768>}, {pipeline_mode = #tpu.pipeline_mode<synchronous>, transform_indices = @transform_3, window_bounds = array<i64: 768, 768>}, {transform_indices = @transform_4, window_bounds = array<i64: 1024, 768>}, {pipeline_mode = #tpu.pipeline_mode<synchronous>, transform_indices = @transform_5, window_bounds = array<i64: 1, 768>}, {transform_indices = @transform_6, window_bounds = array<i64: 1024, 768>}]} {
    %get3A = arith.constant 0 : index
    %get3A_0 = arith.constant 0 : index
    %get3A_1 = vector.load %arg1[%get3A, %get3A_0] : memref<1024x768xf32, #tpu.memory_space<vmem>>, vector<1024x768xf32>
    %get3A_2 = arith.constant 0 : index
    %get3A_3 = arith.constant 0 : index
    %get3A_4 = vector.load %arg2[%get3A_2, %get3A_3] : memref<768x768xf32, #tpu.memory_space<vmem>>, vector<768x768xf32>
    %dot_general3A = arith.constant dense<0.000000e+00> : vector<1024x768xf32>
    %dot_general3A_5 = tpu.matmul %get3A_1, %get3A_4, %dot_general3A {dimension_numbers = #tpu.dot_dimension_numbers<[1], [1], [0], [0], [0, 0, 1, 0], [], []>, transpose_lhs_hint = false} : vector<1024x768xf32>, vector<768x768xf32>, vector<1024x768xf32> -> vector<1024x768xf32>
    %get3A_6 = arith.constant 0 : index
    %get3A_7 = arith.constant 0 : index
    %get3A_8 = vector.load %arg3[%get3A_6, %get3A_7] : memref<768x768xf32, #tpu.memory_space<vmem>>, vector<768x768xf32>
    %dot_general3A_9 = arith.constant dense<0.000000e+00> : vector<1024x768xf32>
    %dot_general3A_10 = tpu.matmul %get3A_1, %get3A_8, %dot_general3A_9 {dimension_numbers = #tpu.dot_dimension_numbers<[1], [1], [0], [0], [0, 0, 1, 0], [], []>, transpose_lhs_hint = false} : vector<1024x768xf32>, vector<768x768xf32>, vector<1024x768xf32> -> vector<1024x768xf32>
    %logistic3A = arith.negf %dot_general3A_5 : vector<1024x768xf32>
    %logistic3A_11 = math.exp %logistic3A : vector<1024x768xf32>
    %logistic3A_12 = arith.constant 1.000000e+00 : f32
    %logistic3A_13 = vector.broadcast %logistic3A_12 : f32 to vector<1024x768xf32>
    %logistic3A_14 = arith.addf %logistic3A_13, %logistic3A_11 : vector<1024x768xf32>
    %logistic3A_15 = arith.divf %logistic3A_13, %logistic3A_14 : vector<1024x768xf32>
    %mul3A = arith.mulf %dot_general3A_5, %logistic3A_15 : vector<1024x768xf32>
    %mul3A_16 = arith.mulf %mul3A, %dot_general3A_10 : vector<1024x768xf32>
    %get3A_17 = arith.constant 0 : index
    %get3A_18 = arith.constant 0 : index
    %get3A_19 = vector.load %arg4[%get3A_17, %get3A_18] : memref<768x768xf32, #tpu.memory_space<vmem>>, vector<768x768xf32>
    %dot_general3A_20 = arith.constant dense<0.000000e+00> : vector<1024x768xf32>
    %dot_general3A_21 = tpu.matmul %mul3A_16, %get3A_19, %dot_general3A_20 {dimension_numbers = #tpu.dot_dimension_numbers<[1], [1], [0], [0], [0, 0, 1, 0], [], []>, transpose_lhs_hint = false} : vector<1024x768xf32>, vector<768x768xf32>, vector<1024x768xf32> -> vector<1024x768xf32>
    %get3A_22 = arith.constant 0 : index
    %get3A_23 = arith.constant 0 : index
    %get3A_24 = vector.load %arg5[%get3A_22, %get3A_23] : memref<1024x768xf32, #tpu.memory_space<vmem>>, vector<1024x768xf32>
    %add3A = arith.addf %dot_general3A_21, %get3A_24 : vector<1024x768xf32>
    %get3A_25 = arith.constant 0 : index
    %get3A_26 = arith.constant 0 : index
    %get3A_27 = vector.load %arg6[%get3A_25, %get3A_26] : memref<1x768xf32, #tpu.memory_space<vmem>>, vector<1x768xf32>
    %mul3A_28 = vector.broadcast %get3A_27 : vector<1x768xf32> to vector<1024x768xf32>
    %mul3A_29 = arith.mulf %add3A, %mul3A_28 : vector<1024x768xf32>
    %swap3A = arith.constant 0 : index
    %swap3A_30 = arith.constant 0 : index
    %swap3A_31 = vector.load %arg7[%swap3A, %swap3A_30] : memref<1024x768xf32, #tpu.memory_space<vmem>>, vector<1024x768xf32>
    tpu.vector_store %arg7[%swap3A, %swap3A_30], %mul3A_29 {strides = array<i32>} : memref<1024x768xf32, #tpu.memory_space<vmem>>, vector<1024x768xf32>,
    return
  }
  func.func @transform_0(%arg0: i32) -> (i32, i32) {
    %c0_i32 = arith.constant 0 : i32
    %c0_i32_0 = arith.constant 0 : i32
    return %arg0, %c0_i32 : i32, i32
  }
  func.func @transform_1(%arg0: i32) -> (i32, i32) {
    %c0_i32 = arith.constant 0 : i32
    %c0_i32_0 = arith.constant 0 : i32
    %c0_i32_1 = arith.constant 0 : i32
    return %c0_i32, %c0_i32_0 : i32, i32
  }
  func.func @transform_2(%arg0: i32) -> (i32, i32) {
    %c0_i32 = arith.constant 0 : i32
    %c0_i32_0 = arith.constant 0 : i32
    %c0_i32_1 = arith.constant 0 : i32
    return %c0_i32, %c0_i32_0 : i32, i32
  }
  func.func @transform_3(%arg0: i32) -> (i32, i32) {
    %c0_i32 = arith.constant 0 : i32
    %c0_i32_0 = arith.constant 0 : i32
    %c0_i32_1 = arith.constant 0 : i32
    return %c0_i32, %c0_i32_0 : i32, i32
  }
  func.func @transform_4(%arg0: i32) -> (i32, i32) {
    %c0_i32 = arith.constant 0 : i32
    %c0_i32_0 = arith.constant 0 : i32
    return %arg0, %c0_i32 : i32, i32
  }
  func.func @transform_5(%arg0: i32) -> (i32, i32) {
    %c0_i32 = arith.constant 0 : i32
    %c0_i32_0 = arith.constant 0 : i32
    %c0_i32_1 = arith.constant 0 : i32
    return %c0_i32, %c0_i32_0 : i32, i32
  }
  func.func @transform_6(%arg0: i32) -> (i32, i32) {
    %c0_i32 = arith.constant 0 : i32
    %c0_i32_0 = arith.constant 0 : i32
    return %arg0, %c0_i32 : i32, i32
  }
}

</mosaic_0001>

<sc_bundles>
// kernel: kernel.10.cloned.1.call-start
scs
__scs_entry_jumppad:
0x0: {  	(pc) =	sbr.rel $0x88, $3  }
0x1: {  	(tag) =	ssettag $0x0;
	lr =	simm.s32 $0x1  }
0x2: {  	[smem:$0x3F98] =	sst lr;
	_ =	strace $0xD0000000  }
0x3: {  	_ = 	snop  }
0x4: {  	_ = 	snop  }
0x5: {  	_ = 	snop  }
0x6: {  	_ = 	snop  }
0x7: {  	_ = 	snop  }
__scs_overlays_trampoline_lowered:
0x8: {  	[smem:$0x3FA7] =	sst s0  }
0x9: {  	[smem:$0x3FA8] =	sst s1  }
0xa: {  	[smem:$0x3FA9] =	sst s2  }
0xb: {  	[smem:$0x3FAA] =	sst s3  }
0xc: {  	[smem:$0x3FAB] =	sst s4  }
0xd: {  	[smem:$0x3FAC] =	sst s5  }
0xe: {  	[smem:$0x3FAD] =	sst s6  }
0xf: {  	[smem:$0x3FAE] =	sst s7  }
0x10: {  	[smem:$0x3FAF] =	sst s8  }
0x11: {  	[smem:$0x3FB0] =	sst s9;
	s0 =	simm.s32 @!p0 $0x0  }
0x12: {  	s1 =	sld [smem:$0x3F96];
	s0 =	simm.s32 @p0 $0x1  }
0x13: {  	[smem:$0x3FB1] =	sst s0;
	s0 =	simm.s32 @!p1 $0x0  }
0x14: {  	s2 =	sld [smem:$0x3F95];
	s0 =	simm.s32 @p1 $0x1  }
0x15: {  	[smem:$0x3FB2] =	sst s0;
	s0 =	simm.s32 @!p2 $0x0  }
0x16: {  	s3 =	sld [smem:$0x3FDB];
	s0 =	simm.s32 @p2 $0x1  }
0x17: {  	s4 =	simm.s32 $0x1BF5;
	[smem:$0x3FB4] =	sst s0  }
0x18: {  	s0 =	sld [smem:$0x3F97];
	_ =	swait.ge [sflag:s4], $0x0  }
0x19: {  	s7 =	sld [smem:$0x3F98]  }
0x1a: {  	s8 =	sadd.s32 $0xFFFFE003, lr  }
0x1b: {  	s9 =	sadd.s32 $0xFFFFFEF7, lr;
	s5 =	simm.s32 $0xFFFFFFFF;
	p2 =	slt.u32 s8, $0xFFFFF086  }
0x1c: {  	p1 =	slt.u32 s9, $0xF7A;
	s5 =	simm.s32 @!p2 $0x0  }
0x1d: {  	s5 =	simm.s32 @p1 $0x1;
	p0 =	seq.s32 s7, s2  }
0x1e: {  	s7 =	smul.u32 @!p0 $0xF7A, s2;
	p2 =	seq.s32 @!p0 s5, $0x0  }
0x1f: {  	s9 =	smul.u32 $0xF7A, s1;
	s8 =	simm.s32 @!p0 $0x1BF5;
	p2 =	por !p2, p0  }
0x20: {  	[sflag:s8] =	ssyncset.s32 @!p0 $0xFFFFF086;
	s6 =	sadd.s32 @!p0 s3, s7;
	s7 =	simm.s32 @!p0 $0x108  }
0x21: {  	s3 =	sadd.s32 s3, s9;
	s6 =	sadd.s32 @!p0 $0x88, s6;
	s7 =	simm.s32 @p2 $0x1082  }
0x22: {  	[simem:s7], [sflag:s8] =	dma.local @!p0 [hbm:s6], $0xF7A  }
0x23: {  	s9 =	sor.u32 $0xD0000000, s2;
	s6 =	simm.s32 $0x108;
	_ =	swait.ge @!p0 [sflag:s8], $0x0  }
0x24: {  	s3 =	sadd.s32 $0x88, s3;
	s6 =	simm.s32 @!p1 $0x1082;
	[sflag:s4] =	ssyncset.s32 $0xFFFFF086  }
0x25: {  	[simem:s6], [sflag:s4] =	dma.local [hbm:s3], $0xF7A  }
0x26: {  	[smem:$0x3F98] =	sst s1;
	(tag) =	ssettag s2;
	_ =	strace s9  }
0x27: {  	s1 =	sld [smem:$0x3FA8]  }
0x28: {  	s2 =	sld [smem:$0x3FA9]  }
0x29: {  	s4 =	sld [smem:$0x3FAB]  }
0x2a: {  	p0 =	seq.s32 s5, $0x0;
	s5 =	sld [smem:$0x3FAC]  }
0x2b: {  	s6 =	sld [smem:$0x3FAD]  }
0x2c: {  	s7 =	sld [smem:$0x3FAE]  }
0x2d: {  	s3 =	simm.s32 $0x108;
	s8 =	sld [smem:$0x3FAF]  }
0x2e: {  	s3 =	simm.s32 @!p0 $0x1082;
	s9 =	sld [smem:$0x3FB0]  }
0x2f: {  	lr =	sadd.s32 s0, s3;
	s0 =	sld [smem:$0x3FA7]  }
0x30: {  	s3 =	sld [smem:$0x3FAA]  }
0x31: {  	[smem:$0x3FB3] =	sst s10  }
0x32: {  	s10 =	sld [smem:$0x3FB1];
	_ =	sdelay $0x3  }
0x33: {  	p0 =	seq.s32 s10, $0x1;
	s10 =	sld [smem:$0x3FB3];
	_ =	sdelay $0x3  }
0x34: {  	[smem:$0x3FB3] =	sst s10  }
0x35: {  	s10 =	sld [smem:$0x3FB2];
	_ =	sdelay $0x3  }
0x36: {  	p1 =	seq.s32 s10, $0x1;
	s10 =	sld [smem:$0x3FB3];
	_ =	sdelay $0x3  }
0x37: {  	[smem:$0x3FB3] =	sst s10  }
0x38: {  	s10 =	sld [smem:$0x3FB4]  }
0x39: {  	_ = 	snop;
	(pc) =	sbr.ind lr, $3  }
0x3a: {  	_ = 	snop  }
0x3b: {  	_ = 	snop  }
0x3c: {  	p2 =	seq.s32 s10, $0x1;
	s10 =	sld [smem:$0x3FB3]  }
0x3d: {  	_ =	shalt  }
0x3e: {  	_ =	shalt  }
0x3f: {  	_ =	shalt  }
0x40: {  	_ =	shalt  }
0x41: {  	_ =	shalt  }
0x42: {  	_ =	shalt  }
0x43: {  	_ =	shalt  }
0x44: {  	_ =	shalt  }
0x45: {  	_ =	shalt  }
0x46: {  	_ =	shalt  }
0x47: {  	_ =	shalt  }
0x48: {  	_ =	shalt  }
0x49: {  	_ =	shalt  }
0x4a: {  	_ =	shalt  }
0x4b: {  	_ =	shalt  }
0x4c: {  	_ =	shalt  }
0x4d: {  	_ =	shalt  }
0x4e: {  	_ =	shalt  }
0x4f: {  	_ =	shalt  }
0x50: {  	_ =	shalt  }
0x51: {  	_ =	shalt  }
0x52: {  	_ =	shalt  }
0x53: {  	_ =	shalt  }
0x54: {  	_ =	shalt  }
0x55: {  	_ =	shalt  }
0x56: {  	_ =	shalt  }
0x57: {  	_ =	shalt  }
0x58: {  	_ =	shalt  }
0x59: {  	_ =	shalt  }
0x5a: {  	_ =	shalt  }
0x5b: {  	_ =	shalt  }
0x5c: {  	_ =	shalt  }
0x5d: {  	_ =	shalt  }
0x5e: {  	_ =	shalt  }
0x5f: {  	_ =	shalt  }
0x60: {  	_ =	shalt  }
0x61: {  	_ =	shalt  }
0x62: {  	_ =	shalt  }
0x63: {  	_ =	shalt  }
0x64: {  	_ =	shalt  }
0x65: {  	_ =	shalt  }
0x66: {  	_ =	shalt  }
0x67: {  	_ =	shalt  }
0x68: {  	_ =	shalt  }
0x69: {  	_ =	shalt  }
0x6a: {  	_ =	shalt  }
0x6b: {  	_ =	shalt  }
0x6c: {  	_ =	shalt  }
0x6d: {  	_ =	shalt  }
0x6e: {  	_ =	shalt  }
0x6f: {  	_ =	shalt  }
0x70: {  	_ =	shalt  }
0x71: {  	_ =	shalt  }
0x72: {  	_ =	shalt  }
0x73: {  	_ =	shalt  }
0x74: {  	_ =	shalt  }
0x75: {  	_ =	shalt  }
0x76: {  	_ =	shalt  }
0x77: {  	_ =	shalt  }
0x78: {  	_ =	shalt  }
0x79: {  	_ =	shalt  }
0x7a: {  	_ =	shalt  }
0x7b: {  	_ =	shalt  }
0x7c: {  	_ =	shalt  }
0x7d: {  	_ =	shalt  }
0x7e: {  	_ =	shalt  }
0x7f: {  	_ =	shalt  }
0x80: {  	_ =	shalt  }
0x81: {  	_ =	shalt  }
0x82: {  	_ =	shalt  }
0x83: {  	_ =	shalt  }
0x84: {  	_ =	shalt  }
0x85: {  	_ =	shalt  }
0x86: {  	_ =	shalt  }
0x87: {  	_ =	shalt  }
.Lfunc_end0:
.L_simem_size_0:
called_computation.1_lowered:
.L_overlay_start_0:
0x88: {  	s2 =	sld [smem:$0x3FD9]  }
0x89: {  	s3 =	sld [smem:$0x3FFE];
	_ =	sdelay $0x1  }
0x8a: {  	s1 =	srdreg.scid  }
0x8b: {  	s0 =	sand.u32 $0x1, s1  }
0x8c: {  	s17 =	sshll.u32 s0, $0xA;
	s2 =	sadd.s32 s3, s2  }
0x8d: {  	s2 =	sadd.s32 s2, s17  }
0x8e: {  	[smem:$0x3FBF] =	sst s2  }
0x8f: {  	_ = 	snop  }
0x90: {  	s2 =	sld [smem:$0x3FD0];
	(tm) =	ssettm $0x1  }
0x91: {  	s18 =	sld [smem:$0x3FFB];
	_ =	sdelay $0x3  }
0x92: {  	_ =	strace s18  }
0x93: {  	s3 =	sld [smem:$0x3FFC];
	_ =	sdelay $0x3  }
0x94: {  	_ =	strace s3  }
0x95: {  	s3 =	sld [smem:$0x3FFD];
	_ =	sdelay $0x3  }
0x96: {  	_ =	strace s3  }
0x97: {  	_ =	strace $0x8FFFFFFF  }
0x98: {  	s19 =	sld [smem:$0x3FDB];
	_ =	sdelay $0x1  }
0x99: {  	s4 =	simm.s32 $_scs_section_size  }
0x9a: {  	s5 =	simm.s32 $_size__tile_overlayer_lowered;
	s6 =	simm.s32 $_tile_overlayer_lowered  }
0x9b: {  	s22 =	simm.s32 $0x1BFF;
	s21 =	sshll.u32 s6, $0x1;
	s3 =	sadd.s32 s4, s19  }
0x9c: {  	s7 =	simm.s32 $0x0;
	s20 =	sshll.u32 s5, $0x1;
	s5 =	sadd.s32 s21, s3  }
0x9d: {  	[timem:s7], [sflag:s22] =	dma.local [hbm:s5], s20  }
0x9e: {  	_ =	swait.ge [sflag:s22], s20  }
0x9f: {  	s4 =	ssub.s32 $0x0, s20;
	[sflag:s22] =	ssyncset.done $0x0  }
0xa0: {  	[sflag:s22] =	ssyncadd.s32 s4;
	_ =	sdelay $0x1  }
0xa1: {  	s23 =	simm.s32 $0x1B8B  }
0xa2: {  	_ =	swait.ge [sflag:s23], $0x1  }
0xa3: {  	[sflag:s23] =	ssyncset.done $0x0  }
0xa4: {  	s25 =	simm.s32 $0x1B8E;
	s24 =	sld [smem:$0x3FFE];
	[sflag:s23] =	ssyncadd.s32 $0xFFFFFFFF  }
0xa5: {  	s26 =	simm.s32 $execute0_lowered;
	[smem:$0x3FD2] =	sst s25  }
0xa6: {  	s5 =	sshll.u32 s26, $0x1;
	_ =	strace $0x80000049;
	[dreg:$0x1] =	wrdreg $0xFFFFFFFF  }
0xa7: {  	s28 =	simm.s32 $_size_execute0_lowered;
	s3 =	sadd.s32 s3, s5;
	[dreg:$0x0] =	wrdreg $0x0  }
0xa8: {  	s5 =	sshll.u32 s28, $0x1;
	[dreg:$0x2] =	wrdreg s3  }
0xa9: {  	[dreg:$0x3] =	wrdreg s5  }
0xaa: {  	[dreg:$0x4] =	wrdreg $0xC0  }
0xab: {  	_ =	task [dreg:s7], $0x5FFFF  }
0xac: {  	[dreg:$0x1] =	wrdreg $0xFFFFFFFF  }
0xad: {  	[dreg:$0x0] =	wrdreg $0x60  }
0xae: {  	[dreg:$0x2] =	wrdreg s24  }
0xaf: {  	[dreg:$0x3] =	wrdreg s2  }
0xb0: {  	[dreg:$0x4] =	wrdreg $0x9  }
0xb1: {  	_ =	task.clear_ibuf [dreg:s7], $0x5FFFF;
	_ =	strace $0x90000049  }
0xb2: {  	s29 =	simm.s32 $0x9;
	_ =	strace $0x8000004B  }
0xb3: {  	_ =	swait.ge [sflag:s29], $0x1  }
0xb4: {  	[sflag:s29] =	ssyncadd.s32 $0xFFFFFFFF  }
0xb5: {  	_ =	strace $0x9000004B  }
0xb6: {  	_ =	sfence  }
0xb7: {  	s30 =	sld [smem:$0x0];
	_ =	sdelay $0x2  }
0xb8: {  	s31 =	sshll.u32 s1, $0xD;
	s1 =	sshrl.u32 s1, $0x2  }
0xb9: {  	s3 =	sand.u32 $0x4000, s31;
	s1 =	sadd.s32 s1, s30  }
0xba: {  	s0 =	sor.u32 s3, s0;
	s1 =	sshll.u32 s1, $0x11  }
0xbb: {  	s0 =	sor.u32 s1, s0  }
0xbc: {  	s0 =	sadd.s32 $0x8F2B, s0  }
0xbd: {  	[sflag:s0] =	ssyncadd.remote.s32 $0x1  }
0xbe: {  	_ =	sfence.sel $0xFFFF  }
0xbf: {  	[dreg:$0x0] =	wrdreg $0xFFFFFFFF;
	(pc) =	sbr.abs _section_cstart, $3  }
0xc0: {  	[dreg:$0x1] =	wrdreg $0xFFFFFFFF  }
0xc1: {  	_ =	task.clear_ibuf [dreg:s7], $0x2FFFF;
	_ =	strace $0x9FFFFFFF  }
0xc2: {  	(tm) =	ssettm $0x7FFFFFFF  }
0xc3: {  	_ =	shalt  }
tec
execute0_lowered:
.L_overlay_start_1:
0x0: {  	(tag) =	ssettag $0x1  }
0x1: {  	s1 =	srdreg.scid  }
0x2: {  	s0 =	stileid.u32;
	s1 =	sand.u32 $0x1, s1  }
0x3: {  	s5 =	rddreg [dreg:$0x0];
	s2 =	sshll.u32 s0, $0x5;
	s3 =	sshll.u32 s1, $0x4  }
0x4: {  	s4 =	rddreg [dreg:$0x1];
	s3 =	sor.u32 s3, s2;
	s2 =	simm.s32 $0x0  }
0x5: {  	s6 =	smul.u32 $0x300, s3;
	[smem:$0x7FF] =	sst s2;
	s3 =	sadd.s32 s4, s3  }
0x6: {  	s25 =	simm.s32 $0x880;
	_ =	strace $0x8000004A;
	[dreg:$0x3] =	wrdreg s3  }
0x7: {  	s26 =	simm.s32 $0x1080;
	[dreg:$0x5] =	wrdreg s25  }
0x8: {  	s0 =	simm.s32 $0x1880;
	[dreg:$0x6] =	wrdreg s26  }
0x9: {  	s4 =	simm.s32 $0x2080;
	[dreg:$0x7] =	wrdreg s0  }
0xa: {  	s7 =	simm.s32 $0x3080;
	[dreg:$0x8] =	wrdreg s4  }
0xb: {  	s8 =	simm.s32 $0x3880;
	[dreg:$0xa] =	wrdreg s7  }
0xc: {  	s9 =	simm.s32 $0x4080;
	[dreg:$0xb] =	wrdreg s8  }
0xd: {  	s10 =	simm.s32 $0x4880;
	[dreg:$0xc] =	wrdreg s9  }
0xe: {  	s11 =	simm.s32 $0x5080;
	[dreg:$0xd] =	wrdreg s10  }
0xf: {  	s12 =	simm.s32 $0x5880;
	[dreg:$0xe] =	wrdreg s11  }
0x10: {  	s13 =	simm.s32 $0x6080;
	[dreg:$0xf] =	wrdreg s12  }
0x11: {  	s14 =	simm.s32 $0x6880;
	s15 =	simm.s32 $0x7080;
	[dreg:$0x10] =	wrdreg s13  }
0x12: {  	s16 =	simm.s32 $0x7880;
	s17 =	simm.s32 $0x8080;
	[dreg:$0x11] =	wrdreg s14  }
0x13: {  	s18 =	simm.s32 $0x8880;
	s19 =	simm.s32 $0x9080;
	[dreg:$0x12] =	wrdreg s15  }
0x14: {  	s21 =	simm.s32 $0x9880;
	s22 =	simm.s32 $0xA080;
	[dreg:$0x13] =	wrdreg s16  }
0x15: {  	s23 =	simm.s32 $0xA880;
	s28 =	simm.s32 $0x16080;
	[dreg:$0x14] =	wrdreg s17  }
0x16: {  	s29 =	simm.s32 $0x16880;
	s1 =	ssub.s32 $0x2, s1;
	[dreg:$0x15] =	wrdreg s18  }
0x17: {  	s30 =	simm.s32 $0x17080;
	s20 =	sshrl.u32 s1, $0x1;
	[dreg:$0x16] =	wrdreg s19  }
0x18: {  	s31 =	simm.s32 $0x17880;
	s1 =	ssub.s32 s1, s20;
	[dreg:$0x17] =	wrdreg s21  }
0x19: {  	s20 =	simm.s32 $0x12880;
	s3 =	sadd.s32 $0x121400, s5;
	[dreg:$0x18] =	wrdreg s22  }
0x1a: {  	s4 =	sadd.s32 $0x121500, s5;
	[dreg:$0x19] =	wrdreg s23;
	s7 =	simm.s32 $0xB080  }
0x1b: {  	s25 =	simm.s32 $0xC080;
	s8 =	simm.s32 $0x80;
	s26 =	simm.s32 $0xC880  }
0x1c: {  	s10 =	simm.s32 $0xD880;
	s11 =	simm.s32 $0xE080;
	s12 =	simm.s32 $0xE880  }
0x1d: {  	s13 =	simm.s32 $0xF080;
	s14 =	simm.s32 $0xF880;
	s15 =	simm.s32 $0x10080  }
0x1e: {  	s16 =	simm.s32 $0x10880;
	s17 =	simm.s32 $0x11080;
	s18 =	simm.s32 $0x11880  }
0x1f: {  	s19 =	simm.s32 $0x12080;
	s21 =	simm.s32 $0x13080;
	s22 =	simm.s32 $0x13880  }
0x20: {  	s23 =	simm.s32 $0x14080;
	s6 =	sadd.s32 s6, s5;
	[dreg:$0x1a] =	wrdreg s7  }
0x21: {  	s5 =	sadd.s32 $0x121600, s5;
	s7 =	simm.s32 $0x2;
	[dreg:$0x1c] =	wrdreg s25  }
0x22: {  	[dreg:$0x1d] =	wrdreg s26;
	s25 =	simm.s32 $0x15080;
	s24 =	sadd.s32 $0x1400, s6  }
0x23: {  	v2 =	vlaneseq.u32;
	s26 =	simm.s32 $0x15880;
	s6 =	simm.s32 $0x2880;
	[dreg:$0x4] =	wrdreg s24  }
0x24: {  	vm0 =	vmmov $0xffff;
	v1 =	vshrl.u32 v2, $0x3;
	[dreg:$0x9] =	wrdreg s6;
	s6 =	smax.u32 s1, $0x1;
	s24 =	simm.s32 $0xB880  }
0x25: {  	v0 =	vand.u32 $0x7, v2;
	v2 =	vor.u32 $0x8, v2;
	v1 =	vmul.u32 $0x8, v1;
	s1 =	simm.s32 $0x1;
	[dreg:$0x1b] =	wrdreg s24;
	s24 =	simm.s32 $0x14880  }
.LBB2_1:
0x26: {  	s0 =	rddreg [dreg:$0x3]  }
0x27: {  	[tilespmem:s2], [sflag:$0x2] =	stream.linear.gather [hbm4b:s0+s2], $0x80, $0x38;
	[tilespmem:$0x18080] =	vst v63  }
0x28: {  	_ =	swait.ge [sflag:s7], $0x80  }
0x29: {  	[sflag:s7] =	ssyncset.done $0x0  }
0x2a: {  	[sflag:s7] =	ssyncadd.s32 $0xFFFFFF80  }
0x2b: {  	v3 =	vld [tilespmem:$0x0];
	_ =	sdelay $0x4  }
0x2c: {  	v4 =	vshrl.u32 v3, $0x3  }
0x2d: {  	v4 =	vmul.u32 $0x30, v4  }
0x2e: {  	v3 =	vand.u32 $0x7, v3  }
0x2f: {  	v3 =	vor.u32 v3, v4  }
0x30: {  	v4 =	vperm.xlane v3, v0;
	_ =	sdelay $0x1  }
0x31: {  	v4 =	vadd.s32 v1, v4;
	_ =	sdelay $0x3  }
0x32: {  	v3 =	vperm.xlane v3, v2  }
0x33: {  	[tilespmem:s8], [sflag:$0x1] =	stream.indirect_vreg.gather [hbm4b:s3+s2], $0x80, v4, vm0, $0xb8;
	[tilespmem:$0x18080] =	vst v63  }
0x34: {  	s0 =	rddreg [dreg:$0x5];
	v3 =	vadd.s32 v1, v3  }
0x35: {  	[tilespmem:s0], [sflag:$0x1] =	stream.indirect_vreg.gather [hbm4b:s4+s2], $0x80, v4, vm0, $0xb8;
	[tilespmem:$0x18080] =	vst v63  }
0x36: {  	s9 =	rddreg [dreg:$0x6]  }
0x37: {  	[tilespmem:s9], [sflag:$0x1] =	stream.indirect_vreg.gather [hbm4b:s5+s2], $0x80, v4, vm0, $0xb8;
	[tilespmem:$0x18080] =	vst v63  }
0x38: {  	s0 =	rddreg [dreg:$0x7]  }
0x39: {  	[tilespmem:s0], [sflag:$0x1] =	stream.indirect_vreg.gather [hbm4b:s3+s2], $0x80, v3, vm0, $0xb8;
	[tilespmem:$0x18080] =	vst v63  }
0x3a: {  	s9 =	rddreg [dreg:$0x8]  }
0x3b: {  	[tilespmem:s9], [sflag:$0x1] =	stream.indirect_vreg.gather [hbm4b:s4+s2], $0x80, v3, vm0, $0xb8;
	[tilespmem:$0x18080] =	vst v63  }
0x3c: {  	s0 =	rddreg [dreg:$0x9]  }
0x3d: {  	[tilespmem:s0], [sflag:$0x1] =	stream.indirect_vreg.gather [hbm4b:s5+s2], $0x80, v3, vm0, $0xb8;
	[tilespmem:$0x18080] =	vst v63  }
0x3e: {  	v3 =	vld [tilespmem:$0x10];
	_ =	sdelay $0x4  }
0x3f: {  	v57 =	vshrl.u32 v3, $0x3  }
0x40: {  	v4 =	vmul.u32 $0x30, v57  }
0x41: {  	v3 =	vand.u32 $0x7, v3  }
0x42: {  	v3 =	vor.u32 v3, v4  }
0x43: {  	v4 =	vperm.xlane v3, v0;
	_ =	sdelay $0x1  }
0x44: {  	v4 =	vadd.s32 v1, v4;
	_ =	sdelay $0x3  }
0x45: {  	s0 =	rddreg [dreg:$0xa];
	v3 =	vperm.xlane v3, v2  }
0x46: {  	[tilespmem:s0], [sflag:$0x1] =	stream.indirect_vreg.gather [hbm4b:s3+s2], $0x80, v4, vm0, $0xb8;
	[tilespmem:$0x18080] =	vst v63  }
0x47: {  	s9 =	rddreg [dreg:$0xb];
	v3 =	vadd.s32 v1, v3  }
0x48: {  	[tilespmem:s9], [sflag:$0x1] =	stream.indirect_vreg.gather [hbm4b:s4+s2], $0x80, v4, vm0, $0xb8;
	[tilespmem:$0x18080] =	vst v63  }
0x49: {  	s0 =	rddreg [dreg:$0xc]  }
0x4a: {  	[tilespmem:s0], [sflag:$0x1] =	stream.indirect_vreg.gather [hbm4b:s5+s2], $0x80, v4, vm0, $0xb8;
	[tilespmem:$0x18080] =	vst v63  }
0x4b: {  	s9 =	rddreg [dreg:$0xd]  }
0x4c: {  	[tilespmem:s9], [sflag:$0x1] =	stream.indirect_vreg.gather [hbm4b:s3+s2], $0x80, v3, vm0, $0xb8;
	[tilespmem:$0x18080] =	vst v63  }
0x4d: {  	s0 =	rddreg [dreg:$0xe]  }
0x4e: {  	[tilespmem:s0], [sflag:$0x1] =	stream.indirect_vreg.gather [hbm4b:s4+s2], $0x80, v3, vm0, $0xb8;
	[tilespmem:$0x18080] =	vst v63  }
0x4f: {  	s9 =	rddreg [dreg:$0xf]  }
0x50: {  	[tilespmem:s9], [sflag:$0x1] =	stream.indirect_vreg.gather [hbm4b:s5+s2], $0x80, v3, vm0, $0xb8;
	[tilespmem:$0x18080] =	vst v63  }
0x51: {  	v3 =	vld [tilespmem:$0x20];
	_ =	sdelay $0x4  }
0x52: {  	v58 =	vshrl.u32 v3, $0x3  }
0x53: {  	v4 =	vmul.u32 $0x30, v58  }
0x54: {  	v3 =	vand.u32 $0x7, v3  }
0x55: {  	v3 =	vor.u32 v3, v4  }
0x56: {  	v4 =	vperm.xlane v3, v0;
	_ =	sdelay $0x1  }
0x57: {  	v4 =	vadd.s32 v1, v4;
	_ =	sdelay $0x3  }
0x58: {  	s0 =	rddreg [dreg:$0x10];
	v3 =	vperm.xlane v3, v2  }
0x59: {  	[tilespmem:s0], [sflag:$0x1] =	stream.indirect_vreg.gather [hbm4b:s3+s2], $0x80, v4, vm0, $0xb8;
	[tilespmem:$0x18080] =	vst v63  }
0x5a: {  	s9 =	rddreg [dreg:$0x11];
	v3 =	vadd.s32 v1, v3  }
0x5b: {  	[tilespmem:s9], [sflag:$0x1] =	stream.indirect_vreg.gather [hbm4b:s4+s2], $0x80, v4, vm0, $0xb8;
	[tilespmem:$0x18080] =	vst v63  }
0x5c: {  	s0 =	rddreg [dreg:$0x12]  }
0x5d: {  	[tilespmem:s0], [sflag:$0x1] =	stream.indirect_vreg.gather [hbm4b:s5+s2], $0x80, v4, vm0, $0xb8;
	[tilespmem:$0x18080] =	vst v63  }
0x5e: {  	s9 =	rddreg [dreg:$0x13]  }
0x5f: {  	[tilespmem:s9], [sflag:$0x1] =	stream.indirect_vreg.gather [hbm4b:s3+s2], $0x80, v3, vm0, $0xb8;
	[tilespmem:$0x18080] =	vst v63  }
0x60: {  	s0 =	rddreg [dreg:$0x14]  }
0x61: {  	[tilespmem:s0], [sflag:$0x1] =	stream.indirect_vreg.gather [hbm4b:s4+s2], $0x80, v3, vm0, $0xb8;
	[tilespmem:$0x18080] =	vst v63  }
0x62: {  	s9 =	rddreg [dreg:$0x15]  }
0x63: {  	[tilespmem:s9], [sflag:$0x1] =	stream.indirect_vreg.gather [hbm4b:s5+s2], $0x80, v3, vm0, $0xb8;
	[tilespmem:$0x18080] =	vst v63  }
0x64: {  	v3 =	vld [tilespmem:$0x30];
	_ =	sdelay $0x4  }
0x65: {  	v59 =	vshrl.u32 v3, $0x3  }
0x66: {  	v4 =	vmul.u32 $0x30, v59  }
0x67: {  	v3 =	vand.u32 $0x7, v3  }
0x68: {  	v3 =	vor.u32 v3, v4  }
0x69: {  	v4 =	vperm.xlane v3, v0;
	_ =	sdelay $0x1  }
0x6a: {  	v4 =	vadd.s32 v1, v4;
	_ =	sdelay $0x3  }
0x6b: {  	s0 =	rddreg [dreg:$0x16];
	v3 =	vperm.xlane v3, v2  }
0x6c: {  	[tilespmem:s0], [sflag:$0x1] =	stream.indirect_vreg.gather [hbm4b:s3+s2], $0x80, v4, vm0, $0xb8;
	[tilespmem:$0x18080] =	vst v63  }
0x6d: {  	s9 =	rddreg [dreg:$0x17];
	v3 =	vadd.s32 v1, v3  }
0x6e: {  	[tilespmem:s9], [sflag:$0x1] =	stream.indirect_vreg.gather [hbm4b:s4+s2], $0x80, v4, vm0, $0xb8;
	[tilespmem:$0x18080] =	vst v63  }
0x6f: {  	s0 =	rddreg [dreg:$0x18]  }
0x70: {  	[tilespmem:s0], [sflag:$0x1] =	stream.indirect_vreg.gather [hbm4b:s5+s2], $0x80, v4, vm0, $0xb8;
	[tilespmem:$0x18080] =	vst v63  }
0x71: {  	s9 =	rddreg [dreg:$0x19]  }
0x72: {  	[tilespmem:s9], [sflag:$0x1] =	stream.indirect_vreg.gather [hbm4b:s3+s2], $0x80, v3, vm0, $0xb8;
	[tilespmem:$0x18080] =	vst v63  }
0x73: {  	s0 =	rddreg [dreg:$0x1a]  }
0x74: {  	[tilespmem:s0], [sflag:$0x1] =	stream.indirect_vreg.gather [hbm4b:s4+s2], $0x80, v3, vm0, $0xb8;
	[tilespmem:$0x18080] =	vst v63  }
0x75: {  	s9 =	rddreg [dreg:$0x1b]  }
0x76: {  	[tilespmem:s9], [sflag:$0x1] =	stream.indirect_vreg.gather [hbm4b:s5+s2], $0x80, v3, vm0, $0xb8;
	[tilespmem:$0x18080] =	vst v63  }
0x77: {  	v3 =	vld [tilespmem:$0x40];
	_ =	sdelay $0x4  }
0x78: {  	v60 =	vshrl.u32 v3, $0x3  }
0x79: {  	v4 =	vmul.u32 $0x30, v60  }
0x7a: {  	v3 =	vand.u32 $0x7, v3  }
0x7b: {  	v3 =	vor.u32 v3, v4  }
0x7c: {  	v4 =	vperm.xlane v3, v0;
	_ =	sdelay $0x1  }
0x7d: {  	v4 =	vadd.s32 v1, v4;
	_ =	sdelay $0x3  }
0x7e: {  	s0 =	rddreg [dreg:$0x1c];
	v3 =	vperm.xlane v3, v2  }
0x7f: {  	[tilespmem:s0], [sflag:$0x1] =	stream.indirect_vreg.gather [hbm4b:s3+s2], $0x80, v4, vm0, $0xb8;
	[tilespmem:$0x18080] =	vst v63  }
0x80: {  	s9 =	rddreg [dreg:$0x1d];
	v3 =	vadd.s32 v1, v3  }
0x81: {  	[tilespmem:s9], [sflag:$0x1] =	stream.indirect_vreg.gather [hbm4b:s4+s2], $0x80, v4, vm0, $0xb8;
	[tilespmem:$0x18080] =	vst v63  }
0x82: {  	s9 =	simm.s32 $0xD080  }
0x83: {  	[tilespmem:s9], [sflag:$0x1] =	stream.indirect_vreg.gather [hbm4b:s5+s2], $0x80, v4, vm0, $0xb8;
	[tilespmem:$0x18080] =	vst v63  }
0x84: {  	_ = 	snop  }
0x85: {  	[tilespmem:s10], [sflag:$0x1] =	stream.indirect_vreg.gather [hbm4b:s3+s2], $0x80, v3, vm0, $0xb8;
	[tilespmem:$0x18080] =	vst v63  }
0x86: {  	_ = 	snop  }
0x87: {  	[tilespmem:s11], [sflag:$0x1] =	stream.indirect_vreg.gather [hbm4b:s4+s2], $0x80, v3, vm0, $0xb8;
	[tilespmem:$0x18080] =	vst v63  }
0x88: {  	_ = 	snop  }
0x89: {  	[tilespmem:s12], [sflag:$0x1] =	stream.indirect_vreg.gather [hbm4b:s5+s2], $0x80, v3, vm0, $0xb8;
	[tilespmem:$0x18080] =	vst v63  }
0x8a: {  	v3 =	vld [tilespmem:$0x50];
	_ =	sdelay $0x4  }
0x8b: {  	v61 =	vshrl.u32 v3, $0x3  }
0x8c: {  	v4 =	vmul.u32 $0x30, v61  }
0x8d: {  	v3 =	vand.u32 $0x7, v3  }
0x8e: {  	v3 =	vor.u32 v3, v4  }
0x8f: {  	v4 =	vperm.xlane v3, v0;
	_ =	sdelay $0x1  }
0x90: {  	v4 =	vadd.s32 v1, v4;
	_ =	sdelay $0x3  }
0x91: {  	v3 =	vperm.xlane v3, v2  }
0x92: {  	[tilespmem:s13], [sflag:$0x1] =	stream.indirect_vreg.gather [hbm4b:s3+s2], $0x80, v4, vm0, $0xb8;
	[tilespmem:$0x18080] =	vst v63  }
0x93: {  	v3 =	vadd.s32 v1, v3  }
0x94: {  	[tilespmem:s14], [sflag:$0x1] =	stream.indirect_vreg.gather [hbm4b:s4+s2], $0x80, v4, vm0, $0xb8;
	[tilespmem:$0x18080] =	vst v63  }
0x95: {  	_ = 	snop  }
0x96: {  	[tilespmem:s15], [sflag:$0x1] =	stream.indirect_vreg.gather [hbm4b:s5+s2], $0x80, v4, vm0, $0xb8;
	[tilespmem:$0x18080] =	vst v63  }
0x97: {  	_ = 	snop  }
0x98: {  	[tilespmem:s16], [sflag:$0x1] =	stream.indirect_vreg.gather [hbm4b:s3+s2], $0x80, v3, vm0, $0xb8;
	[tilespmem:$0x18080] =	vst v63  }
0x99: {  	_ = 	snop  }
0x9a: {  	[tilespmem:s17], [sflag:$0x1] =	stream.indirect_vreg.gather [hbm4b:s4+s2], $0x80, v3, vm0, $0xb8;
	[tilespmem:$0x18080] =	vst v63  }
0x9b: {  	_ = 	snop  }
0x9c: {  	[tilespmem:s18], [sflag:$0x1] =	stream.indirect_vreg.gather [hbm4b:s5+s2], $0x80, v3, vm0, $0xb8;
	[tilespmem:$0x18080] =	vst v63  }
0x9d: {  	v3 =	vld [tilespmem:$0x60];
	_ =	sdelay $0x4  }
0x9e: {  	v62 =	vshrl.u32 v3, $0x3  }
0x9f: {  	v4 =	vmul.u32 $0x30, v62  }
0xa0: {  	v3 =	vand.u32 $0x7, v3  }
0xa1: {  	v3 =	vor.u32 v3, v4  }
0xa2: {  	v4 =	vperm.xlane v3, v0;
	_ =	sdelay $0x1  }
0xa3: {  	v4 =	vadd.s32 v1, v4;
	_ =	sdelay $0x3  }
0xa4: {  	v3 =	vperm.xlane v3, v2  }
0xa5: {  	[tilespmem:s19], [sflag:$0x1] =	stream.indirect_vreg.gather [hbm4b:s3+s2], $0x80, v4, vm0, $0xb8;
	[tilespmem:$0x18080] =	vst v63  }
0xa6: {  	v3 =	vadd.s32 v1, v3  }
0xa7: {  	[tilespmem:s20], [sflag:$0x1] =	stream.indirect_vreg.gather [hbm4b:s4+s2], $0x80, v4, vm0, $0xb8;
	[tilespmem:$0x18080] =	vst v63  }
0xa8: {  	_ = 	snop  }
0xa9: {  	[tilespmem:s21], [sflag:$0x1] =	stream.indirect_vreg.gather [hbm4b:s5+s2], $0x80, v4, vm0, $0xb8;
	[tilespmem:$0x18080] =	vst v63  }
0xaa: {  	_ = 	snop  }
0xab: {  	[tilespmem:s22], [sflag:$0x1] =	stream.indirect_vreg.gather [hbm4b:s3+s2], $0x80, v3, vm0, $0xb8;
	[tilespmem:$0x18080] =	vst v63  }
0xac: {  	_ = 	snop  }
0xad: {  	[tilespmem:s23], [sflag:$0x1] =	stream.indirect_vreg.gather [hbm4b:s4+s2], $0x80, v3, vm0, $0xb8;
	[tilespmem:$0x18080] =	vst v63  }
0xae: {  	_ = 	snop  }
0xaf: {  	[tilespmem:s24], [sflag:$0x1] =	stream.indirect_vreg.gather [hbm4b:s5+s2], $0x80, v3, vm0, $0xb8;
	[tilespmem:$0x18080] =	vst v63  }
0xb0: {  	v3 =	vld [tilespmem:$0x70];
	_ =	sdelay $0x4  }
0xb1: {  	v63 =	vshrl.u32 v3, $0x3  }
0xb2: {  	v4 =	vmul.u32 $0x30, v63  }
0xb3: {  	v3 =	vand.u32 $0x7, v3  }
0xb4: {  	v3 =	vor.u32 v3, v4  }
0xb5: {  	v4 =	vperm.xlane v3, v0;
	_ =	sdelay $0x1  }
0xb6: {  	v4 =	vadd.s32 v1, v4;
	_ =	sdelay $0x3  }
0xb7: {  	v3 =	vperm.xlane v3, v2  }
0xb8: {  	[tilespmem:s25], [sflag:$0x1] =	stream.indirect_vreg.gather [hbm4b:s3+s2], $0x80, v4, vm0, $0xb8;
	[tilespmem:$0x18080] =	vst v63  }
0xb9: {  	v3 =	vadd.s32 v1, v3  }
0xba: {  	[tilespmem:s26], [sflag:$0x1] =	stream.indirect_vreg.gather [hbm4b:s4+s2], $0x80, v4, vm0, $0xb8;
	[tilespmem:$0x18080] =	vst v63  }
0xbb: {  	_ = 	snop  }
0xbc: {  	[tilespmem:s28], [sflag:$0x1] =	stream.indirect_vreg.gather [hbm4b:s5+s2], $0x80, v4, vm0, $0xb8;
	[tilespmem:$0x18080] =	vst v63  }
0xbd: {  	_ = 	snop  }
0xbe: {  	[tilespmem:s29], [sflag:$0x1] =	stream.indirect_vreg.gather [hbm4b:s3+s2], $0x80, v3, vm0, $0xb8;
	[tilespmem:$0x18080] =	vst v63  }
0xbf: {  	_ = 	snop  }
0xc0: {  	[tilespmem:s30], [sflag:$0x1] =	stream.indirect_vreg.gather [hbm4b:s4+s2], $0x80, v3, vm0, $0xb8;
	[tilespmem:$0x18080] =	vst v63  }
0xc1: {  	_ = 	snop  }
0xc2: {  	[tilespmem:s31], [sflag:$0x1] =	stream.indirect_vreg.gather [hbm4b:s5+s2], $0x80, v3, vm0, $0xb8;
	[tilespmem:$0x18080] =	vst v63  }
0xc3: {  	_ =	swait.ge [sflag:s1], $0x18000  }
0xc4: {  	p0 =	sne.s32 s6, $0x1;
	[sflag:s1] =	ssyncset.done $0x0  }
.Ltmp0:
0xc5: {  	s9 =	rddreg [dreg:$0x4];
	[sflag:s1] =	ssyncadd.s32 $0xFFFE8000;
	(pc) =	sbr.rel @p0 .LBB2_1-.Ltmp0, $4  }
0xc6: {  	[hbm4b:s9+s2] =	stream.linear.scatter [tilespmem:s8], [sflag:$0x2], $0x18000, $0x38;
	[tilespmem:$0x18080] =	vst v63  }
0xc7: {  	_ =	swait.ge [sflag:s7], $0x18000  }
0xc8: {  	[sflag:s7] =	ssyncset.done $0x0  }
0xc9: {  	s6 =	sadd.s32 $0xFFFFFFFF, s6;
	[sflag:s7] =	ssyncadd.s32 $0xFFFE8000  }
0xca: {  	_ =	sfence.sel $0x180000  }
0xcb: {  	[bflag:$0x0] =	sbarrier.arrive $0xFFFF  }
0xcc: {  	_ =	strace $0x9000004A  }
0xcd: {  	s0 =	stileid.u32;
	[bflag:$0x2] =	sbarrier.arrive $0xFFFF  }
0xce: {  	p0 =	sne.s32 s0, $0x0;
	s0 =	rddreg [dreg:$0x2]  }
0xcf: {  	s0 =	sadd.s32 @!p0 $0x100000, s0  }
0xd0: {  	[sflag:s0] =	ssyncadd.tile.s32 @!p0 $0x1;
	_ =	shalt  }
.Lfunc_end2:
_tile_overlayer_lowered:
.L_overlay_start_2:
0xd1: {  	(tag) =	ssettag $0x2  }
0xd2: {  	s0 =	rddreg [dreg:$0x0];
	s2 =	stileid.u32  }
0xd3: {  	s1 =	rddreg [dreg:$0x1];
	p0 =	sne.s32 s2, $0x0  }
0xd4: {  	s3 =	rddreg [dreg:$0x2];
	[bflag:$0x3] =	sbarrier.arrive $0xFFFF;
	s2 =	simm.s32 @!p0 $0x1C02  }
0xd5: {  	[timem:s3], [sflag:s2] =	dma.local @!p0 [hbm:s0], s1  }
0xd6: {  	s0 =	simm.s32 @!p0 $0x2  }
0xd7: {  	_ =	swait.ge @!p0 [sflag:s0], s1  }
0xd8: {  	s1 =	ssub.s32 @!p0 $0x0, s1;
	[sflag:s0] =	ssyncset.done @!p0 $0x0  }
0xd9: {  	[sflag:s0] =	ssyncadd.s32 @!p0 s1  }
0xda: {  	[bflag:$0x3] =	sbarrier.arrive $0xFFFF  }
0xdb: {  	_ =	shalt  }

// kernel: kernel.7.cloned.1.call-start
scs
__scs_entry_jumppad:
0x0: {  	(pc) =	sbr.rel $0x88, $3  }
0x1: {  	(tag) =	ssettag $0x0;
	lr =	simm.s32 $0x1  }
0x2: {  	[smem:$0x3F98] =	sst lr;
	_ =	strace $0xD0000000  }
0x3: {  	_ = 	snop  }
0x4: {  	_ = 	snop  }
0x5: {  	_ = 	snop  }
0x6: {  	_ = 	snop  }
0x7: {  	_ = 	snop  }
__scs_overlays_trampoline_lowered:
0x8: {  	[smem:$0x3FA7] =	sst s0  }
0x9: {  	[smem:$0x3FA8] =	sst s1  }
0xa: {  	[smem:$0x3FA9] =	sst s2  }
0xb: {  	[smem:$0x3FAA] =	sst s3  }
0xc: {  	[smem:$0x3FAB] =	sst s4  }
0xd: {  	[smem:$0x3FAC] =	sst s5  }
0xe: {  	[smem:$0x3FAD] =	sst s6  }
0xf: {  	[smem:$0x3FAE] =	sst s7  }
0x10: {  	[smem:$0x3FAF] =	sst s8  }
0x11: {  	[smem:$0x3FB0] =	sst s9;
	s0 =	simm.s32 @!p0 $0x0  }
0x12: {  	s1 =	sld [smem:$0x3F96];
	s0 =	simm.s32 @p0 $0x1  }
0x13: {  	[smem:$0x3FB1] =	sst s0;
	s0 =	simm.s32 @!p1 $0x0  }
0x14: {  	s2 =	sld [smem:$0x3F95];
	s0 =	simm.s32 @p1 $0x1  }
0x15: {  	[smem:$0x3FB2] =	sst s0;
	s0 =	simm.s32 @!p2 $0x0  }
0x16: {  	s3 =	sld [smem:$0x3FDB];
	s0 =	simm.s32 @p2 $0x1  }
0x17: {  	s4 =	simm.s32 $0x1BF5;
	[smem:$0x3FB4] =	sst s0  }
0x18: {  	s0 =	sld [smem:$0x3F97];
	_ =	swait.ge [sflag:s4], $0x0  }
0x19: {  	s7 =	sld [smem:$0x3F98]  }
0x1a: {  	s8 =	sadd.s32 $0xFFFFE003, lr  }
0x1b: {  	s9 =	sadd.s32 $0xFFFFFEF7, lr;
	s5 =	simm.s32 $0xFFFFFFFF;
	p2 =	slt.u32 s8, $0xFFFFF086  }
0x1c: {  	p1 =	slt.u32 s9, $0xF7A;
	s5 =	simm.s32 @!p2 $0x0  }
0x1d: {  	s5 =	simm.s32 @p1 $0x1;
	p0 =	seq.s32 s7, s2  }
0x1e: {  	s7 =	smul.u32 @!p0 $0xF7A, s2;
	p2 =	seq.s32 @!p0 s5, $0x0  }
0x1f: {  	s9 =	smul.u32 $0xF7A, s1;
	s8 =	simm.s32 @!p0 $0x1BF5;
	p2 =	por !p2, p0  }
0x20: {  	[sflag:s8] =	ssyncset.s32 @!p0 $0xFFFFF086;
	s6 =	sadd.s32 @!p0 s3, s7;
	s7 =	simm.s32 @!p0 $0x108  }
0x21: {  	s3 =	sadd.s32 s3, s9;
	s6 =	sadd.s32 @!p0 $0x88, s6;
	s7 =	simm.s32 @p2 $0x1082  }
0x22: {  	[simem:s7], [sflag:s8] =	dma.local @!p0 [hbm:s6], $0xF7A  }
0x23: {  	s9 =	sor.u32 $0xD0000000, s2;
	s6 =	simm.s32 $0x108;
	_ =	swait.ge @!p0 [sflag:s8], $0x0  }
0x24: {  	s3 =	sadd.s32 $0x88, s3;
	s6 =	simm.s32 @!p1 $0x1082;
	[sflag:s4] =	ssyncset.s32 $0xFFFFF086  }
0x25: {  	[simem:s6], [sflag:s4] =	dma.local [hbm:s3], $0xF7A  }
0x26: {  	[smem:$0x3F98] =	sst s1;
	(tag) =	ssettag s2;
	_ =	strace s9  }
0x27: {  	s1 =	sld [smem:$0x3FA8]  }
0x28: {  	s2 =	sld [smem:$0x3FA9]  }
0x29: {  	s4 =	sld [smem:$0x3FAB]  }
0x2a: {  	p0 =	seq.s32 s5, $0x0;
	s5 =	sld [smem:$0x3FAC]  }
0x2b: {  	s6 =	sld [smem:$0x3FAD]  }
0x2c: {  	s7 =	sld [smem:$0x3FAE]  }
0x2d: {  	s3 =	simm.s32 $0x108;
	s8 =	sld [smem:$0x3FAF]  }
0x2e: {  	s3 =	simm.s32 @!p0 $0x1082;
	s9 =	sld [smem:$0x3FB0]  }
0x2f: {  	lr =	sadd.s32 s0, s3;
	s0 =	sld [smem:$0x3FA7]  }
0x30: {  	s3 =	sld [smem:$0x3FAA]  }
0x31: {  	[smem:$0x3FB3] =	sst s10  }
0x32: {  	s10 =	sld [smem:$0x3FB1];
	_ =	sdelay $0x3  }
0x33: {  	p0 =	seq.s32 s10, $0x1;
	s10 =	sld [smem:$0x3FB3];
	_ =	sdelay $0x3  }
0x34: {  	[smem:$0x3FB3] =	sst s10  }
0x35: {  	s10 =	sld [smem:$0x3FB2];
	_ =	sdelay $0x3  }
0x36: {  	p1 =	seq.s32 s10, $0x1;
	s10 =	sld [smem:$0x3FB3];
	_ =	sdelay $0x3  }
0x37: {  	[smem:$0x3FB3] =	sst s10  }
0x38: {  	s10 =	sld [smem:$0x3FB4]  }
0x39: {  	_ = 	snop;
	(pc) =	sbr.ind lr, $3  }
0x3a: {  	_ = 	snop  }
0x3b: {  	_ = 	snop  }
0x3c: {  	p2 =	seq.s32 s10, $0x1;
	s10 =	sld [smem:$0x3FB3]  }
0x3d: {  	_ =	shalt  }
0x3e: {  	_ =	shalt  }
0x3f: {  	_ =	shalt  }
0x40: {  	_ =	shalt  }
0x41: {  	_ =	shalt  }
0x42: {  	_ =	shalt  }
0x43: {  	_ =	shalt  }
0x44: {  	_ =	shalt  }
0x45: {  	_ =	shalt  }
0x46: {  	_ =	shalt  }
0x47: {  	_ =	shalt  }
0x48: {  	_ =	shalt  }
0x49: {  	_ =	shalt  }
0x4a: {  	_ =	shalt  }
0x4b: {  	_ =	shalt  }
0x4c: {  	_ =	shalt  }
0x4d: {  	_ =	shalt  }
0x4e: {  	_ =	shalt  }
0x4f: {  	_ =	shalt  }
0x50: {  	_ =	shalt  }
0x51: {  	_ =	shalt  }
0x52: {  	_ =	shalt  }
0x53: {  	_ =	shalt  }
0x54: {  	_ =	shalt  }
0x55: {  	_ =	shalt  }
0x56: {  	_ =	shalt  }
0x57: {  	_ =	shalt  }
0x58: {  	_ =	shalt  }
0x59: {  	_ =	shalt  }
0x5a: {  	_ =	shalt  }
0x5b: {  	_ =	shalt  }
0x5c: {  	_ =	shalt  }
0x5d: {  	_ =	shalt  }
0x5e: {  	_ =	shalt  }
0x5f: {  	_ =	shalt  }
0x60: {  	_ =	shalt  }
0x61: {  	_ =	shalt  }
0x62: {  	_ =	shalt  }
0x63: {  	_ =	shalt  }
0x64: {  	_ =	shalt  }
0x65: {  	_ =	shalt  }
0x66: {  	_ =	shalt  }
0x67: {  	_ =	shalt  }
0x68: {  	_ =	shalt  }
0x69: {  	_ =	shalt  }
0x6a: {  	_ =	shalt  }
0x6b: {  	_ =	shalt  }
0x6c: {  	_ =	shalt  }
0x6d: {  	_ =	shalt  }
0x6e: {  	_ =	shalt  }
0x6f: {  	_ =	shalt  }
0x70: {  	_ =	shalt  }
0x71: {  	_ =	shalt  }
0x72: {  	_ =	shalt  }
0x73: {  	_ =	shalt  }
0x74: {  	_ =	shalt  }
0x75: {  	_ =	shalt  }
0x76: {  	_ =	shalt  }
0x77: {  	_ =	shalt  }
0x78: {  	_ =	shalt  }
0x79: {  	_ =	shalt  }
0x7a: {  	_ =	shalt  }
0x7b: {  	_ =	shalt  }
0x7c: {  	_ =	shalt  }
0x7d: {  	_ =	shalt  }
0x7e: {  	_ =	shalt  }
0x7f: {  	_ =	shalt  }
0x80: {  	_ =	shalt  }
0x81: {  	_ =	shalt  }
0x82: {  	_ =	shalt  }
0x83: {  	_ =	shalt  }
0x84: {  	_ =	shalt  }
0x85: {  	_ =	shalt  }
0x86: {  	_ =	shalt  }
0x87: {  	_ =	shalt  }
.Lfunc_end0:
.L_simem_size_0:
called_computation_lowered:
.L_overlay_start_0:
0x88: {  	s2 =	sld [smem:$0x3FD9]  }
0x89: {  	s3 =	sld [smem:$0x3FFE];
	_ =	sdelay $0x1  }
0x8a: {  	s1 =	srdreg.scid  }
0x8b: {  	s0 =	sand.u32 $0x1, s1  }
0x8c: {  	s17 =	sshll.u32 s0, $0xA;
	s2 =	sadd.s32 s3, s2  }
0x8d: {  	s2 =	sadd.s32 s2, s17  }
0x8e: {  	[smem:$0x3FBF] =	sst s2  }
0x8f: {  	_ = 	snop  }
0x90: {  	s2 =	sld [smem:$0x3FC9]  }
0x91: {  	s18 =	sld [smem:$0x3FD0];
	(tm) =	ssettm $0x1  }
0x92: {  	s4 =	sld [smem:$0x3FFB];
	_ =	sdelay $0x3  }
0x93: {  	_ =	strace s4  }
0x94: {  	s4 =	sld [smem:$0x3FFC];
	_ =	sdelay $0x3  }
0x95: {  	_ =	strace s4  }
0x96: {  	s4 =	sld [smem:$0x3FFD];
	_ =	sdelay $0x3  }
0x97: {  	_ =	strace s4  }
0x98: {  	_ =	strace $0x8FFFFFFF  }
0x99: {  	s19 =	sld [smem:$0x3FDB];
	_ =	sdelay $0x1  }
0x9a: {  	s5 =	simm.s32 $_scs_section_size  }
0x9b: {  	s6 =	simm.s32 $_size__tile_overlayer_lowered;
	s7 =	simm.s32 $_tile_overlayer_lowered  }
0x9c: {  	s22 =	simm.s32 $0x1BFF;
	s21 =	sshll.u32 s7, $0x1;
	s4 =	sadd.s32 s5, s19  }
0x9d: {  	s8 =	simm.s32 $0x0;
	s20 =	sshll.u32 s6, $0x1;
	s6 =	sadd.s32 s21, s4  }
0x9e: {  	[timem:s8], [sflag:s22] =	dma.local [hbm:s6], s20  }
0x9f: {  	_ =	swait.ge [sflag:s22], s20  }
0xa0: {  	s5 =	ssub.s32 $0x0, s20;
	[sflag:s22] =	ssyncset.done $0x0  }
0xa1: {  	[sflag:s22] =	ssyncadd.s32 s5;
	_ =	sdelay $0x1  }
0xa2: {  	s23 =	simm.s32 $0x1B8B  }
0xa3: {  	_ =	swait.ge [sflag:s23], $0x1  }
0xa4: {  	[sflag:s23] =	ssyncset.done $0x0  }
0xa5: {  	s25 =	simm.s32 $0x1B8E;
	s24 =	sld [smem:$0x3FFE];
	[sflag:s23] =	ssyncadd.s32 $0xFFFFFFFF  }
0xa6: {  	s26 =	simm.s32 $execute0_lowered;
	[smem:$0x3FD2] =	sst s25  }
0xa7: {  	s6 =	sshll.u32 s26, $0x1;
	_ =	strace $0x80000046;
	[dreg:$0x1] =	wrdreg $0xFFFFFFFF  }
0xa8: {  	s28 =	simm.s32 $_size_execute0_lowered;
	s4 =	sadd.s32 s4, s6;
	[dreg:$0x0] =	wrdreg $0x0  }
0xa9: {  	s6 =	sshll.u32 s28, $0x1;
	[dreg:$0x2] =	wrdreg s4  }
0xaa: {  	[dreg:$0x3] =	wrdreg s6  }
0xab: {  	[dreg:$0x4] =	wrdreg $0xC0  }
0xac: {  	_ =	task [dreg:s8], $0x5FFFF  }
0xad: {  	[dreg:$0x1] =	wrdreg $0xFFFFFFFF  }
0xae: {  	[dreg:$0x0] =	wrdreg $0x60  }
0xaf: {  	[dreg:$0x2] =	wrdreg s2  }
0xb0: {  	[dreg:$0x3] =	wrdreg s18  }
0xb1: {  	[dreg:$0x4] =	wrdreg s24  }
0xb2: {  	[dreg:$0x5] =	wrdreg $0x9  }
0xb3: {  	_ =	task.clear_ibuf [dreg:s8], $0x6FFFF;
	_ =	strace $0x90000046  }
0xb4: {  	s29 =	simm.s32 $0x9;
	_ =	strace $0x80000048  }
0xb5: {  	_ =	swait.ge [sflag:s29], $0x1  }
0xb6: {  	[sflag:s29] =	ssyncadd.s32 $0xFFFFFFFF  }
0xb7: {  	_ =	strace $0x90000048  }
0xb8: {  	_ =	sfence  }
0xb9: {  	s30 =	sld [smem:$0x0];
	_ =	sdelay $0x2  }
0xba: {  	s31 =	sshll.u32 s1, $0xD;
	s1 =	sshrl.u32 s1, $0x2  }
0xbb: {  	s3 =	sand.u32 $0x4000, s31;
	s1 =	sadd.s32 s1, s30  }
0xbc: {  	s0 =	sor.u32 s3, s0;
	s1 =	sshll.u32 s1, $0x11  }
0xbd: {  	s0 =	sor.u32 s1, s0  }
0xbe: {  	s0 =	sadd.s32 $0x8F2B, s0  }
0xbf: {  	[sflag:s0] =	ssyncadd.remote.s32 $0x1  }
0xc0: {  	_ =	sfence.sel $0xFFFF  }
0xc1: {  	[dreg:$0x0] =	wrdreg $0xFFFFFFFF;
	(pc) =	sbr.abs _section_cstart, $3  }
0xc2: {  	[dreg:$0x1] =	wrdreg $0xFFFFFFFF  }
0xc3: {  	_ =	task.clear_ibuf [dreg:s8], $0x2FFFF;
	_ =	strace $0x9FFFFFFF  }
0xc4: {  	(tm) =	ssettm $0x7FFFFFFF  }
0xc5: {  	_ =	shalt  }
tec
execute0_lowered:
.L_overlay_start_1:
0x0: {  	(tag) =	ssettag $0x1  }
0x1: {  	s1 =	rddreg [dreg:$0x0]  }
0x2: {  	s2 =	srdreg.scid;
	s3 =	rddreg [dreg:$0x1]  }
0x3: {  	s5 =	rddreg [dreg:$0x2];
	s4 =	sand.u32 $0x1, s2;
	s2 =	simm.s32 $0x0  }
0x4: {  	s24 =	simm.s32 $0x880;
	[smem:$0x7FF] =	sst s2  }
0x5: {  	s25 =	simm.s32 $0x1080;
	_ =	strace $0x80000047;
	[dreg:$0x6] =	wrdreg s24  }
0x6: {  	s0 =	stileid.u32;
	s26 =	simm.s32 $0x1880;
	[dreg:$0x7] =	wrdreg s25  }
0x7: {  	s6 =	sshll.u32 s0, $0x5;
	s0 =	simm.s32 $0x2080;
	[dreg:$0x8] =	wrdreg s26  }
0x8: {  	s8 =	simm.s32 $0x4080;
	[dreg:$0x9] =	wrdreg s0  }
0x9: {  	s9 =	simm.s32 $0x4880;
	[dreg:$0xd] =	wrdreg s8  }
0xa: {  	s10 =	simm.s32 $0x5080;
	[dreg:$0xe] =	wrdreg s9  }
0xb: {  	s11 =	simm.s32 $0x5880;
	[dreg:$0xf] =	wrdreg s10  }
0xc: {  	s12 =	simm.s32 $0x6080;
	[dreg:$0x10] =	wrdreg s11  }
0xd: {  	s13 =	simm.s32 $0x6880;
	[dreg:$0x11] =	wrdreg s12  }
0xe: {  	s14 =	simm.s32 $0x7080;
	[dreg:$0x12] =	wrdreg s13  }
0xf: {  	s15 =	simm.s32 $0x7880;
	[dreg:$0x13] =	wrdreg s14  }
0x10: {  	s16 =	simm.s32 $0x8080;
	[dreg:$0x14] =	wrdreg s15  }
0x11: {  	s17 =	simm.s32 $0x8880;
	s18 =	simm.s32 $0x9080;
	[dreg:$0x15] =	wrdreg s16  }
0x12: {  	s20 =	simm.s32 $0x9880;
	s21 =	simm.s32 $0xA080;
	[dreg:$0x16] =	wrdreg s17  }
0x13: {  	s22 =	simm.s32 $0xA880;
	s23 =	simm.s32 $0xB080;
	[dreg:$0x17] =	wrdreg s18  }
0x14: {  	s28 =	simm.s32 $0x16080;
	s29 =	simm.s32 $0x16880;
	[dreg:$0x18] =	wrdreg s20  }
0x15: {  	s30 =	simm.s32 $0x17080;
	s31 =	simm.s32 $0x17880;
	[dreg:$0x19] =	wrdreg s21  }
0x16: {  	s7 =	sshll.u32 s4, $0x4;
	s4 =	ssub.s32 $0x2, s4;
	[dreg:$0x1a] =	wrdreg s22  }
0x17: {  	s6 =	sor.u32 s7, s6;
	s19 =	sshrl.u32 s4, $0x1;
	[dreg:$0x1b] =	wrdreg s23  }
0x18: {  	s24 =	simm.s32 $0xB880;
	s25 =	simm.s32 $0xC080;
	s8 =	simm.s32 $0x80  }
0x19: {  	s26 =	simm.s32 $0xC880;
	s10 =	simm.s32 $0xD880;
	s11 =	simm.s32 $0xE080  }
0x1a: {  	s12 =	simm.s32 $0xE880;
	s13 =	simm.s32 $0xF080;
	s14 =	simm.s32 $0xF880  }
0x1b: {  	s15 =	simm.s32 $0x10080;
	s16 =	simm.s32 $0x10880;
	s17 =	simm.s32 $0x11080  }
0x1c: {  	s18 =	simm.s32 $0x11880;
	s20 =	simm.s32 $0x12880;
	s21 =	simm.s32 $0x13080  }
0x1d: {  	s22 =	simm.s32 $0x13880;
	s23 =	simm.s32 $0x14080;
	[dreg:$0x1c] =	wrdreg s24  }
0x1e: {  	s7 =	smul.u32 $0x300, s6;
	s3 =	sadd.s32 s3, s6;
	[dreg:$0x1d] =	wrdreg s25  }
0x1f: {  	s6 =	simm.s32 $0x3080;
	[dreg:$0x1e] =	wrdreg s26;
	s24 =	simm.s32 $0x14880  }
0x20: {  	s25 =	simm.s32 $0x15080;
	s26 =	simm.s32 $0x15880;
	[dreg:$0x4] =	wrdreg s3  }
0x21: {  	s3 =	simm.s32 $0x2880;
	[dreg:$0xb] =	wrdreg s6;
	s6 =	ssub.s32 s4, s19  }
0x22: {  	s4 =	sadd.s32 $0x1500, s5;
	s19 =	simm.s32 $0x12080;
	s1 =	sadd.s32 s1, s7  }
0x23: {  	v2 =	vlaneseq.u32;
	[dreg:$0xa] =	wrdreg s3;
	s7 =	simm.s32 $0x3880;
	s3 =	sadd.s32 $0x1400, s5  }
0x24: {  	vm0 =	vmmov $0xffff;
	v1 =	vshrl.u32 v2, $0x3;
	s5 =	sadd.s32 $0x1600, s5;
	s6 =	smax.u32 s6, $0x1;
	[dreg:$0x5] =	wrdreg s1  }
0x25: {  	v0 =	vand.u32 $0x7, v2;
	v2 =	vor.u32 $0x8, v2;
	v1 =	vmul.u32 $0x8, v1;
	[dreg:$0xc] =	wrdreg s7;
	s7 =	simm.s32 $0x2;
	s1 =	simm.s32 $0x1  }
.LBB2_1:
0x26: {  	s0 =	rddreg [dreg:$0x4]  }
0x27: {  	[tilespmem:s2], [sflag:$0x2] =	stream.linear.gather [hbm4b:s0+s2], $0x80, $0x38;
	[tilespmem:$0x18080] =	vst v63  }
0x28: {  	_ =	swait.ge [sflag:s7], $0x80  }
0x29: {  	[sflag:s7] =	ssyncset.done $0x0  }
0x2a: {  	s9 =	rddreg [dreg:$0x5];
	[sflag:s7] =	ssyncadd.s32 $0xFFFFFF80  }
0x2b: {  	[tilespmem:s8], [sflag:$0x2] =	stream.linear.gather [hbm4b:s9+s2], $0x18000, $0x38;
	[tilespmem:$0x18080] =	vst v63  }
0x2c: {  	_ =	swait.ge [sflag:s7], $0x18000  }
0x2d: {  	[sflag:s7] =	ssyncset.done $0x0  }
0x2e: {  	[sflag:s7] =	ssyncadd.s32 $0xFFFE8000  }
0x2f: {  	v3 =	vld [tilespmem:$0x0];
	_ =	sdelay $0x4  }
0x30: {  	v4 =	vshrl.u32 v3, $0x3  }
0x31: {  	v4 =	vmul.u32 $0x30, v4  }
0x32: {  	v3 =	vand.u32 $0x7, v3  }
0x33: {  	v3 =	vor.u32 v3, v4  }
0x34: {  	v4 =	vperm.xlane v3, v0;
	_ =	sdelay $0x1  }
0x35: {  	v4 =	vadd.s32 v1, v4;
	_ =	sdelay $0x3  }
0x36: {  	v3 =	vperm.xlane v3, v2  }
0x37: {  	[hbm4b:s3+s2] =	stream.indirect_vreg.scatter [tilespmem:s8], [sflag:$0x1], $0x80, v4, vm0, $0xb8;
	[tilespmem:$0x18080] =	vst v63  }
0x38: {  	s0 =	rddreg [dreg:$0x6];
	v3 =	vadd.s32 v1, v3  }
0x39: {  	[hbm4b:s4+s2] =	stream.indirect_vreg.scatter [tilespmem:s0], [sflag:$0x1], $0x80, v4, vm0, $0xb8;
	[tilespmem:$0x18080] =	vst v63  }
0x3a: {  	s9 =	rddreg [dreg:$0x7]  }
0x3b: {  	[hbm4b:s5+s2] =	stream.indirect_vreg.scatter [tilespmem:s9], [sflag:$0x1], $0x80, v4, vm0, $0xb8;
	[tilespmem:$0x18080] =	vst v63  }
0x3c: {  	s0 =	rddreg [dreg:$0x8]  }
0x3d: {  	[hbm4b:s3+s2] =	stream.indirect_vreg.scatter [tilespmem:s0], [sflag:$0x1], $0x80, v3, vm0, $0xb8;
	[tilespmem:$0x18080] =	vst v63  }
0x3e: {  	s9 =	rddreg [dreg:$0x9]  }
0x3f: {  	[hbm4b:s4+s2] =	stream.indirect_vreg.scatter [tilespmem:s9], [sflag:$0x1], $0x80, v3, vm0, $0xb8;
	[tilespmem:$0x18080] =	vst v63  }
0x40: {  	s0 =	rddreg [dreg:$0xa]  }
0x41: {  	[hbm4b:s5+s2] =	stream.indirect_vreg.scatter [tilespmem:s0], [sflag:$0x1], $0x80, v3, vm0, $0xb8;
	[tilespmem:$0x18080] =	vst v63  }
0x42: {  	v3 =	vld [tilespmem:$0x10];
	_ =	sdelay $0x4  }
0x43: {  	v57 =	vshrl.u32 v3, $0x3  }
0x44: {  	v4 =	vmul.u32 $0x30, v57  }
0x45: {  	v3 =	vand.u32 $0x7, v3  }
0x46: {  	v3 =	vor.u32 v3, v4  }
0x47: {  	v4 =	vperm.xlane v3, v0;
	_ =	sdelay $0x1  }
0x48: {  	v4 =	vadd.s32 v1, v4;
	_ =	sdelay $0x3  }
0x49: {  	s0 =	rddreg [dreg:$0xb];
	v3 =	vperm.xlane v3, v2  }
0x4a: {  	[hbm4b:s3+s2] =	stream.indirect_vreg.scatter [tilespmem:s0], [sflag:$0x1], $0x80, v4, vm0, $0xb8;
	[tilespmem:$0x18080] =	vst v63  }
0x4b: {  	s9 =	rddreg [dreg:$0xc];
	v3 =	vadd.s32 v1, v3  }
0x4c: {  	[hbm4b:s4+s2] =	stream.indirect_vreg.scatter [tilespmem:s9], [sflag:$0x1], $0x80, v4, vm0, $0xb8;
	[tilespmem:$0x18080] =	vst v63  }
0x4d: {  	s0 =	rddreg [dreg:$0xd]  }
0x4e: {  	[hbm4b:s5+s2] =	stream.indirect_vreg.scatter [tilespmem:s0], [sflag:$0x1], $0x80, v4, vm0, $0xb8;
	[tilespmem:$0x18080] =	vst v63  }
0x4f: {  	s9 =	rddreg [dreg:$0xe]  }
0x50: {  	[hbm4b:s3+s2] =	stream.indirect_vreg.scatter [tilespmem:s9], [sflag:$0x1], $0x80, v3, vm0, $0xb8;
	[tilespmem:$0x18080] =	vst v63  }
0x51: {  	s0 =	rddreg [dreg:$0xf]  }
0x52: {  	[hbm4b:s4+s2] =	stream.indirect_vreg.scatter [tilespmem:s0], [sflag:$0x1], $0x80, v3, vm0, $0xb8;
	[tilespmem:$0x18080] =	vst v63  }
0x53: {  	s9 =	rddreg [dreg:$0x10]  }
0x54: {  	[hbm4b:s5+s2] =	stream.indirect_vreg.scatter [tilespmem:s9], [sflag:$0x1], $0x80, v3, vm0, $0xb8;
	[tilespmem:$0x18080] =	vst v63  }
0x55: {  	v3 =	vld [tilespmem:$0x20];
	_ =	sdelay $0x4  }
0x56: {  	v58 =	vshrl.u32 v3, $0x3  }
0x57: {  	v4 =	vmul.u32 $0x30, v58  }
0x58: {  	v3 =	vand.u32 $0x7, v3  }
0x59: {  	v3 =	vor.u32 v3, v4  }
0x5a: {  	v4 =	vperm.xlane v3, v0;
	_ =	sdelay $0x1  }
0x5b: {  	v4 =	vadd.s32 v1, v4;
	_ =	sdelay $0x3  }
0x5c: {  	s0 =	rddreg [dreg:$0x11];
	v3 =	vperm.xlane v3, v2  }
0x5d: {  	[hbm4b:s3+s2] =	stream.indirect_vreg.scatter [tilespmem:s0], [sflag:$0x1], $0x80, v4, vm0, $0xb8;
	[tilespmem:$0x18080] =	vst v63  }
0x5e: {  	s9 =	rddreg [dreg:$0x12];
	v3 =	vadd.s32 v1, v3  }
0x5f: {  	[hbm4b:s4+s2] =	stream.indirect_vreg.scatter [tilespmem:s9], [sflag:$0x1], $0x80, v4, vm0, $0xb8;
	[tilespmem:$0x18080] =	vst v63  }
0x60: {  	s0 =	rddreg [dreg:$0x13]  }
0x61: {  	[hbm4b:s5+s2] =	stream.indirect_vreg.scatter [tilespmem:s0], [sflag:$0x1], $0x80, v4, vm0, $0xb8;
	[tilespmem:$0x18080] =	vst v63  }
0x62: {  	s9 =	rddreg [dreg:$0x14]  }
0x63: {  	[hbm4b:s3+s2] =	stream.indirect_vreg.scatter [tilespmem:s9], [sflag:$0x1], $0x80, v3, vm0, $0xb8;
	[tilespmem:$0x18080] =	vst v63  }
0x64: {  	s0 =	rddreg [dreg:$0x15]  }
0x65: {  	[hbm4b:s4+s2] =	stream.indirect_vreg.scatter [tilespmem:s0], [sflag:$0x1], $0x80, v3, vm0, $0xb8;
	[tilespmem:$0x18080] =	vst v63  }
0x66: {  	s9 =	rddreg [dreg:$0x16]  }
0x67: {  	[hbm4b:s5+s2] =	stream.indirect_vreg.scatter [tilespmem:s9], [sflag:$0x1], $0x80, v3, vm0, $0xb8;
	[tilespmem:$0x18080] =	vst v63  }
0x68: {  	v3 =	vld [tilespmem:$0x30];
	_ =	sdelay $0x4  }
0x69: {  	v59 =	vshrl.u32 v3, $0x3  }
0x6a: {  	v4 =	vmul.u32 $0x30, v59  }
0x6b: {  	v3 =	vand.u32 $0x7, v3  }
0x6c: {  	v3 =	vor.u32 v3, v4  }
0x6d: {  	v4 =	vperm.xlane v3, v0;
	_ =	sdelay $0x1  }
0x6e: {  	v4 =	vadd.s32 v1, v4;
	_ =	sdelay $0x3  }
0x6f: {  	s0 =	rddreg [dreg:$0x17];
	v3 =	vperm.xlane v3, v2  }
0x70: {  	[hbm4b:s3+s2] =	stream.indirect_vreg.scatter [tilespmem:s0], [sflag:$0x1], $0x80, v4, vm0, $0xb8;
	[tilespmem:$0x18080] =	vst v63  }
0x71: {  	s9 =	rddreg [dreg:$0x18];
	v3 =	vadd.s32 v1, v3  }
0x72: {  	[hbm4b:s4+s2] =	stream.indirect_vreg.scatter [tilespmem:s9], [sflag:$0x1], $0x80, v4, vm0, $0xb8;
	[tilespmem:$0x18080] =	vst v63  }
0x73: {  	s0 =	rddreg [dreg:$0x19]  }
0x74: {  	[hbm4b:s5+s2] =	stream.indirect_vreg.scatter [tilespmem:s0], [sflag:$0x1], $0x80, v4, vm0, $0xb8;
	[tilespmem:$0x18080] =	vst v63  }
0x75: {  	s9 =	rddreg [dreg:$0x1a]  }
0x76: {  	[hbm4b:s3+s2] =	stream.indirect_vreg.scatter [tilespmem:s9], [sflag:$0x1], $0x80, v3, vm0, $0xb8;
	[tilespmem:$0x18080] =	vst v63  }
0x77: {  	s0 =	rddreg [dreg:$0x1b]  }
0x78: {  	[hbm4b:s4+s2] =	stream.indirect_vreg.scatter [tilespmem:s0], [sflag:$0x1], $0x80, v3, vm0, $0xb8;
	[tilespmem:$0x18080] =	vst v63  }
0x79: {  	s9 =	rddreg [dreg:$0x1c]  }
0x7a: {  	[hbm4b:s5+s2] =	stream.indirect_vreg.scatter [tilespmem:s9], [sflag:$0x1], $0x80, v3, vm0, $0xb8;
	[tilespmem:$0x18080] =	vst v63  }
0x7b: {  	v3 =	vld [tilespmem:$0x40];
	_ =	sdelay $0x4  }
0x7c: {  	v60 =	vshrl.u32 v3, $0x3  }
0x7d: {  	v4 =	vmul.u32 $0x30, v60  }
0x7e: {  	v3 =	vand.u32 $0x7, v3  }
0x7f: {  	v3 =	vor.u32 v3, v4  }
0x80: {  	v4 =	vperm.xlane v3, v0;
	_ =	sdelay $0x1  }
0x81: {  	v4 =	vadd.s32 v1, v4;
	_ =	sdelay $0x3  }
0x82: {  	s0 =	rddreg [dreg:$0x1d];
	v3 =	vperm.xlane v3, v2  }
0x83: {  	[hbm4b:s3+s2] =	stream.indirect_vreg.scatter [tilespmem:s0], [sflag:$0x1], $0x80, v4, vm0, $0xb8;
	[tilespmem:$0x18080] =	vst v63  }
0x84: {  	s9 =	rddreg [dreg:$0x1e];
	v3 =	vadd.s32 v1, v3  }
0x85: {  	[hbm4b:s4+s2] =	stream.indirect_vreg.scatter [tilespmem:s9], [sflag:$0x1], $0x80, v4, vm0, $0xb8;
	[tilespmem:$0x18080] =	vst v63  }
0x86: {  	s9 =	simm.s32 $0xD080  }
0x87: {  	[hbm4b:s5+s2] =	stream.indirect_vreg.scatter [tilespmem:s9], [sflag:$0x1], $0x80, v4, vm0, $0xb8;
	[tilespmem:$0x18080] =	vst v63  }
0x88: {  	_ = 	snop  }
0x89: {  	[hbm4b:s3+s2] =	stream.indirect_vreg.scatter [tilespmem:s10], [sflag:$0x1], $0x80, v3, vm0, $0xb8;
	[tilespmem:$0x18080] =	vst v63  }
0x8a: {  	_ = 	snop  }
0x8b: {  	[hbm4b:s4+s2] =	stream.indirect_vreg.scatter [tilespmem:s11], [sflag:$0x1], $0x80, v3, vm0, $0xb8;
	[tilespmem:$0x18080] =	vst v63  }
0x8c: {  	_ = 	snop  }
0x8d: {  	[hbm4b:s5+s2] =	stream.indirect_vreg.scatter [tilespmem:s12], [sflag:$0x1], $0x80, v3, vm0, $0xb8;
	[tilespmem:$0x18080] =	vst v63  }
0x8e: {  	v3 =	vld [tilespmem:$0x50];
	_ =	sdelay $0x4  }
0x8f: {  	v61 =	vshrl.u32 v3, $0x3  }
0x90: {  	v4 =	vmul.u32 $0x30, v61  }
0x91: {  	v3 =	vand.u32 $0x7, v3  }
0x92: {  	v3 =	vor.u32 v3, v4  }
0x93: {  	v4 =	vperm.xlane v3, v0;
	_ =	sdelay $0x1  }
0x94: {  	v4 =	vadd.s32 v1, v4;
	_ =	sdelay $0x3  }
0x95: {  	v3 =	vperm.xlane v3, v2  }
0x96: {  	[hbm4b:s3+s2] =	stream.indirect_vreg.scatter [tilespmem:s13], [sflag:$0x1], $0x80, v4, vm0, $0xb8;
	[tilespmem:$0x18080] =	vst v63  }
0x97: {  	v3 =	vadd.s32 v1, v3  }
0x98: {  	[hbm4b:s4+s2] =	stream.indirect_vreg.scatter [tilespmem:s14], [sflag:$0x1], $0x80, v4, vm0, $0xb8;
	[tilespmem:$0x18080] =	vst v63  }
0x99: {  	_ = 	snop  }
0x9a: {  	[hbm4b:s5+s2] =	stream.indirect_vreg.scatter [tilespmem:s15], [sflag:$0x1], $0x80, v4, vm0, $0xb8;
	[tilespmem:$0x18080] =	vst v63  }
0x9b: {  	_ = 	snop  }
0x9c: {  	[hbm4b:s3+s2] =	stream.indirect_vreg.scatter [tilespmem:s16], [sflag:$0x1], $0x80, v3, vm0, $0xb8;
	[tilespmem:$0x18080] =	vst v63  }
0x9d: {  	_ = 	snop  }
0x9e: {  	[hbm4b:s4+s2] =	stream.indirect_vreg.scatter [tilespmem:s17], [sflag:$0x1], $0x80, v3, vm0, $0xb8;
	[tilespmem:$0x18080] =	vst v63  }
0x9f: {  	_ = 	snop  }
0xa0: {  	[hbm4b:s5+s2] =	stream.indirect_vreg.scatter [tilespmem:s18], [sflag:$0x1], $0x80, v3, vm0, $0xb8;
	[tilespmem:$0x18080] =	vst v63  }
0xa1: {  	v3 =	vld [tilespmem:$0x60];
	_ =	sdelay $0x4  }
0xa2: {  	v62 =	vshrl.u32 v3, $0x3  }
0xa3: {  	v4 =	vmul.u32 $0x30, v62  }
0xa4: {  	v3 =	vand.u32 $0x7, v3  }
0xa5: {  	v3 =	vor.u32 v3, v4  }
0xa6: {  	v4 =	vperm.xlane v3, v0;
	_ =	sdelay $0x1  }
0xa7: {  	v4 =	vadd.s32 v1, v4;
	_ =	sdelay $0x3  }
0xa8: {  	v3 =	vperm.xlane v3, v2  }
0xa9: {  	[hbm4b:s3+s2] =	stream.indirect_vreg.scatter [tilespmem:s19], [sflag:$0x1], $0x80, v4, vm0, $0xb8;
	[tilespmem:$0x18080] =	vst v63  }
0xaa: {  	v3 =	vadd.s32 v1, v3  }
0xab: {  	[hbm4b:s4+s2] =	stream.indirect_vreg.scatter [tilespmem:s20], [sflag:$0x1], $0x80, v4, vm0, $0xb8;
	[tilespmem:$0x18080] =	vst v63  }
0xac: {  	_ = 	snop  }
0xad: {  	[hbm4b:s5+s2] =	stream.indirect_vreg.scatter [tilespmem:s21], [sflag:$0x1], $0x80, v4, vm0, $0xb8;
	[tilespmem:$0x18080] =	vst v63  }
0xae: {  	_ = 	snop  }
0xaf: {  	[hbm4b:s3+s2] =	stream.indirect_vreg.scatter [tilespmem:s22], [sflag:$0x1], $0x80, v3, vm0, $0xb8;
	[tilespmem:$0x18080] =	vst v63  }
0xb0: {  	_ = 	snop  }
0xb1: {  	[hbm4b:s4+s2] =	stream.indirect_vreg.scatter [tilespmem:s23], [sflag:$0x1], $0x80, v3, vm0, $0xb8;
	[tilespmem:$0x18080] =	vst v63  }
0xb2: {  	_ = 	snop  }
0xb3: {  	[hbm4b:s5+s2] =	stream.indirect_vreg.scatter [tilespmem:s24], [sflag:$0x1], $0x80, v3, vm0, $0xb8;
	[tilespmem:$0x18080] =	vst v63  }
0xb4: {  	v3 =	vld [tilespmem:$0x70];
	_ =	sdelay $0x4  }
0xb5: {  	v63 =	vshrl.u32 v3, $0x3  }
0xb6: {  	v4 =	vmul.u32 $0x30, v63  }
0xb7: {  	v3 =	vand.u32 $0x7, v3  }
0xb8: {  	v3 =	vor.u32 v3, v4  }
0xb9: {  	v4 =	vperm.xlane v3, v0;
	_ =	sdelay $0x1  }
0xba: {  	v4 =	vadd.s32 v1, v4;
	_ =	sdelay $0x3  }
0xbb: {  	v3 =	vperm.xlane v3, v2  }
0xbc: {  	[hbm4b:s3+s2] =	stream.indirect_vreg.scatter [tilespmem:s25], [sflag:$0x1], $0x80, v4, vm0, $0xb8;
	[tilespmem:$0x18080] =	vst v63  }
0xbd: {  	v3 =	vadd.s32 v1, v3  }
0xbe: {  	[hbm4b:s4+s2] =	stream.indirect_vreg.scatter [tilespmem:s26], [sflag:$0x1], $0x80, v4, vm0, $0xb8;
	[tilespmem:$0x18080] =	vst v63  }
0xbf: {  	_ = 	snop  }
0xc0: {  	[hbm4b:s5+s2] =	stream.indirect_vreg.scatter [tilespmem:s28], [sflag:$0x1], $0x80, v4, vm0, $0xb8;
	[tilespmem:$0x18080] =	vst v63  }
0xc1: {  	_ = 	snop  }
0xc2: {  	[hbm4b:s3+s2] =	stream.indirect_vreg.scatter [tilespmem:s29], [sflag:$0x1], $0x80, v3, vm0, $0xb8;
	[tilespmem:$0x18080] =	vst v63  }
0xc3: {  	p0 =	sne.s32 s6, $0x1  }
0xc4: {  	[hbm4b:s4+s2] =	stream.indirect_vreg.scatter [tilespmem:s30], [sflag:$0x1], $0x80, v3, vm0, $0xb8;
	[tilespmem:$0x18080] =	vst v63  }
.Ltmp0:
0xc5: {  	_ = 	snop;
	(pc) =	sbr.rel @p0 .LBB2_1-.Ltmp0, $4  }
0xc6: {  	[hbm4b:s5+s2] =	stream.indirect_vreg.scatter [tilespmem:s31], [sflag:$0x1], $0x80, v3, vm0, $0xb8;
	[tilespmem:$0x18080] =	vst v63  }
0xc7: {  	_ =	swait.ge [sflag:s1], $0x18000  }
0xc8: {  	[sflag:s1] =	ssyncset.done $0x0  }
0xc9: {  	s6 =	sadd.s32 $0xFFFFFFFF, s6;
	[sflag:s1] =	ssyncadd.s32 $0xFFFE8000  }
0xca: {  	_ =	sfence.sel $0x180000  }
0xcb: {  	[bflag:$0x0] =	sbarrier.arrive $0xFFFF  }
0xcc: {  	_ =	strace $0x90000047  }
0xcd: {  	s0 =	stileid.u32;
	[bflag:$0x2] =	sbarrier.arrive $0xFFFF  }
0xce: {  	p0 =	sne.s32 s0, $0x0;
	s0 =	rddreg [dreg:$0x3]  }
0xcf: {  	s0 =	sadd.s32 @!p0 $0x100000, s0  }
0xd0: {  	[sflag:s0] =	ssyncadd.tile.s32 @!p0 $0x1;
	_ =	shalt  }
.Lfunc_end2:
_tile_overlayer_lowered:
.L_overlay_start_2:
0xd1: {  	(tag) =	ssettag $0x2  }
0xd2: {  	s0 =	rddreg [dreg:$0x0];
	s2 =	stileid.u32  }
0xd3: {  	s1 =	rddreg [dreg:$0x1];
	p0 =	sne.s32 s2, $0x0  }
0xd4: {  	s3 =	rddreg [dreg:$0x2];
	[bflag:$0x3] =	sbarrier.arrive $0xFFFF;
	s2 =	simm.s32 @!p0 $0x1C02  }
0xd5: {  	[timem:s3], [sflag:s2] =	dma.local @!p0 [hbm:s0], s1  }
0xd6: {  	s0 =	simm.s32 @!p0 $0x2  }
0xd7: {  	_ =	swait.ge @!p0 [sflag:s0], s1  }
0xd8: {  	s1 =	ssub.s32 @!p0 $0x0, s1;
	[sflag:s0] =	ssyncset.done @!p0 $0x0  }
0xd9: {  	[sflag:s0] =	ssyncadd.s32 @!p0 s1  }
0xda: {  	[bflag:$0x3] =	sbarrier.arrive $0xFFFF  }
0xdb: {  	_ =	shalt  }

</sc_bundles>
